<compile_context>
chip_gen: v7x
topology: tpu7x:2x2x1
jax: 0.10.2.dev20260603
libtpu: 0.0.44.dev20260713+nightly
codegen_flags: <defaults>
</compile_context>

<pallas_src>
import functools
import jax
import jax.numpy as jnp
from jax import lax
from jax.experimental import pallas as pl
from jax.experimental.pallas import tpu as pltpu
from jax.experimental.pallas import tpu_sc as plsc

_RS = 32
_NB = 3
_D = 768
_L = 16


def _sc_add(in_flat, pos_table):
    n_rows, d = in_flat.shape
    seq = pos_table.shape[0]
    batch = n_rows // seq
    n_workers = 32
    seq_per_w = seq // n_workers
    n_steps = seq_per_w // _RS
    n_chunks = n_steps * batch
    mesh = plsc.VectorSubcoreMesh(core_axis_name="c", subcore_axis_name="s")

    @functools.partial(
        pl.kernel,
        mesh=mesh,
        out_type=jax.ShapeDtypeStruct((n_rows, d), jnp.float32),
        scratch_types=[
            pltpu.VMEM((_NB, _RS, _D), jnp.float32),
            pltpu.VMEM((2, _RS, _D), jnp.float32),
            pltpu.SemaphoreType.DMA((_NB,)),
            pltpu.SemaphoreType.DMA((_NB,)),
            pltpu.SemaphoreType.DMA((2,)),
        ],
    )
    def k(in_hbm, pos_hbm, out_hbm, ibuf, posv, isems, osems, psems):
        wid = lax.axis_index("s") * 2 + lax.axis_index("c")
        seq0 = wid * seq_per_w

        def row0_of(c):
            return (c % batch) * seq + seq0 + (c // batch) * _RS

        def in_cp(c):
            return pltpu.make_async_copy(
                in_hbm.at[pl.ds(row0_of(c), _RS)],
                ibuf.at[lax.rem(c, _NB)],
                isems.at[lax.rem(c, _NB)],
            )

        def out_cp(c):
            return pltpu.make_async_copy(
                ibuf.at[lax.rem(c, _NB)],
                out_hbm.at[pl.ds(row0_of(c), _RS)],
                osems.at[lax.rem(c, _NB)],
            )

        def pos_cp(t):
            return pltpu.make_async_copy(
                pos_hbm.at[pl.ds(seq0 + t * _RS, _RS)],
                posv.at[lax.rem(t, 2)],
                psems.at[lax.rem(t, 2)],
            )

        pos_cp(0).start()
        pos_cp(1).start()
        for c0 in range(_NB):
            in_cp(c0).start()

        def chunk(c, _):
            t = c // batch
            b = c % batch
            prm = lax.rem(t, 2)

            @pl.when(c >= 1)
            def _():
                out_cp(c - 1).wait()
                @pl.when(c - 1 + _NB < n_chunks)
                def _():
                    in_cp(c - 1 + _NB).start()

            in_cp(c).wait()

            @pl.when(b == 0)
            def _():
                pos_cp(t).wait()

            slot = lax.rem(c, _NB)

            def add_row(r, _):
                for cc in range(_D // _L):
                    sl = pl.ds(cc * _L, _L)
                    plsc.addupdate(ibuf.at[slot, r, sl], posv[prm, r, sl])
                return ()

            lax.fori_loop(0, _RS, add_row, ())
            out_cp(c).start()

            @pl.when(jnp.logical_and(b == batch - 1, t + 2 < n_steps))
            def _():
                pos_cp(t + 2).start()

            return ()

        lax.fori_loop(0, n_chunks, chunk, ())
        out_cp(n_chunks - 1).wait()

    return k(in_flat, pos_table)


def kernel(input_embeds, pos_table):
    b, s, d = input_embeds.shape
    out = _sc_add(input_embeds.reshape(b * s, d), pos_table)
    return out.reshape(b, s, d)

# --- scband reference (transcript-rebuilt; emitter-appended) ---
"""Pipeline reference for scband-embedded-position-encoding-63702954934952 (READ-ONLY COPY).

The authoritative reference and input builder live on the scoring server;
editing this copy changes nothing except your own understanding.
"""

import jax, jax.numpy as jnp
import numpy as np

D_MODEL = 768
MAX_LEN = 8192

def setup_inputs(seed: int = 0) -> dict:
    key = jax.random.key(seed)
    k1, k2 = jax.random.split(key)
    input_embeds = jax.random.normal(k1, (4, 8192, D_MODEL), dtype=jnp.float32)
    pos_table = jax.random.normal(k2, (MAX_LEN, D_MODEL), dtype=jnp.float32)
    return {"input_embeds": input_embeds, "pos_table": pos_table}

def reference(input_embeds, pos_table):
    batch_size, seq_length, emb_dim = input_embeds.shape
    position_ids = jnp.arange(seq_length, dtype=jnp.int32)
    position_ids = jnp.broadcast_to(position_ids[None, :], (batch_size, seq_length))
    position_embeddings = jnp.take(pos_table, position_ids, axis=0)
    embeddings = input_embeds + position_embeddings
    return embeddings

if __name__ == "__main__":
    import jax
    _d = setup_inputs()
    print(jax.jit(kernel)(*tuple(_d.values())))

</pallas_src>

<mosaic_0001>
#map = affine_map<(d0, d1) -> (0, 0)>
module attributes {stable_mosaic.version = 14 : i64} {
  func.func @k(%arg0: i32, %arg1: i32, %arg2: memref<32768x768xf32, #tpu.memory_space<hbm>>, %arg3: memref<8192x768xf32, #tpu.memory_space<hbm>>, %arg4: memref<32768x768xf32, #tpu.memory_space<hbm>>, %arg5: memref<3x32x768xf32, #tpu.memory_space<vmem>>, %arg6: memref<2x32x768xf32, #tpu.memory_space<vmem>>, %arg7: memref<3x!tpu.dma_semaphore, #tpu.memory_space<semaphore_mem>>, %arg8: memref<3x!tpu.dma_semaphore, #tpu.memory_space<semaphore_mem>>, %arg9: memref<2x!tpu.dma_semaphore, #tpu.memory_space<semaphore_mem>>) attributes {dimension_semantics = [#tpu.dimension_semantics<core_parallel>, #tpu.dimension_semantics<subcore_parallel>], iteration_bounds = array<i64: 2, 16>, scalar_prefetch = 0 : i64, scratch_operands = 5 : i64, tpu.core_type = #tpu.core_type<sc_vector_subcore>, window_params = [{transform_indices = #map}, {transform_indices = #map}, {transform_indices = #map}]} {
    %mul3A = arith.constant 2 : i32
    %mul3A_0 = arith.muli %arg1, %mul3A : i32
    %add3A = arith.addi %mul3A_0, %arg0 : i32
    %mul3A_1 = arith.constant 256 : i32
    %mul3A_2 = arith.muli %add3A, %mul3A_1 : i32
    %add3A_3 = arith.constant 0 : i32
    %add3A_4 = arith.addi %mul3A_2, %add3A_3 : i32
    %rem3A = arith.constant 0 : i32
    %rem3A_5 = arith.constant 2 : i32
    %rem3A_6 = arith.remsi %rem3A, %rem3A_5 : i32
    %rem3A_7 = arith.constant 0 : i32
    %rem3A_8 = arith.constant 2 : i32
    %rem3A_9 = arith.remsi %rem3A_7, %rem3A_8 : i32
    %dma_start3A = arith.constant 0 : i32
    %dma_start3A_10 = arith.constant 0 : i32
    %dma_start3A_11 = tpu.memref_slice %arg6[%rem3A_6, %dma_start3A, %dma_start3A_10] : memref<2x32x768xf32, #tpu.memory_space<vmem>> -> memref<1x32x768xf32, #tpu.memory_space<vmem>>
    %dma_start3A_12 = tpu.memref_squeeze %dma_start3A_11 : memref<1x32x768xf32, #tpu.memory_space<vmem>> -> memref<32x768xf32, #tpu.memory_space<vmem>>
    %dma_start3A_13 = arith.constant 0 : i32
    %dma_start3A_14 = tpu.memref_slice %arg3[%add3A_4, %dma_start3A_13] : memref<8192x768xf32, #tpu.memory_space<hbm>> -> memref<32x768xf32, #tpu.memory_space<hbm>>
    %dma_start3A_15 = tpu.memref_slice %arg9[%rem3A_9] : memref<2x!tpu.dma_semaphore, #tpu.memory_space<semaphore_mem>> -> memref<1x!tpu.dma_semaphore, #tpu.memory_space<semaphore_mem>>
    %dma_start3A_16 = tpu.memref_squeeze %dma_start3A_15 : memref<1x!tpu.dma_semaphore, #tpu.memory_space<semaphore_mem>> -> memref<!tpu.dma_semaphore, #tpu.memory_space<semaphore_mem>>
    %dma_start3A_17 = arith.constant 0 : i32
    %dma_start3A_18 = arith.constant 0 : i32
    %dma_start3A_19 = tpu.memref_slice %arg6[%rem3A_6, %dma_start3A_17, %dma_start3A_18] : memref<2x32x768xf32, #tpu.memory_space<vmem>> -> memref<1x32x768xf32, #tpu.memory_space<vmem>>
    %dma_start3A_20 = tpu.memref_squeeze %dma_start3A_19 : memref<1x32x768xf32, #tpu.memory_space<vmem>> -> memref<32x768xf32, #tpu.memory_space<vmem>>
    %dma_start3A_21 = arith.constant 0 : i32
    %dma_start3A_22 = tpu.memref_slice %arg3[%add3A_4, %dma_start3A_21] : memref<8192x768xf32, #tpu.memory_space<hbm>> -> memref<32x768xf32, #tpu.memory_space<hbm>>
    tpu.enqueue_dma source(%dma_start3A_22 : memref<32x768xf32, #tpu.memory_space<hbm>>) target(%dma_start3A_20 : memref<32x768xf32, #tpu.memory_space<vmem>>) target_semaphore(%dma_start3A_16 : memref<!tpu.dma_semaphore, #tpu.memory_space<semaphore_mem>>)
    %add3A_23 = arith.constant 32 : i32
    %add3A_24 = arith.addi %mul3A_2, %add3A_23 : i32
    %rem3A_25 = arith.constant 1 : i32
    %rem3A_26 = arith.constant 2 : i32
    %rem3A_27 = arith.remsi %rem3A_25, %rem3A_26 : i32
    %rem3A_28 = arith.constant 1 : i32
    %rem3A_29 = arith.constant 2 : i32
    %rem3A_30 = arith.remsi %rem3A_28, %rem3A_29 : i32
    %dma_start3A_31 = arith.constant 0 : i32
    %dma_start3A_32 = arith.constant 0 : i32
    %dma_start3A_33 = tpu.memref_slice %arg6[%rem3A_27, %dma_start3A_31, %dma_start3A_32] : memref<2x32x768xf32, #tpu.memory_space<vmem>> -> memref<1x32x768xf32, #tpu.memory_space<vmem>>
    %dma_start3A_34 = tpu.memref_squeeze %dma_start3A_33 : memref<1x32x768xf32, #tpu.memory_space<vmem>> -> memref<32x768xf32, #tpu.memory_space<vmem>>
    %dma_start3A_35 = arith.constant 0 : i32
    %dma_start3A_36 = tpu.memref_slice %arg3[%add3A_24, %dma_start3A_35] : memref<8192x768xf32, #tpu.memory_space<hbm>> -> memref<32x768xf32, #tpu.memory_space<hbm>>
    %dma_start3A_37 = tpu.memref_slice %arg9[%rem3A_30] : memref<2x!tpu.dma_semaphore, #tpu.memory_space<semaphore_mem>> -> memref<1x!tpu.dma_semaphore, #tpu.memory_space<semaphore_mem>>
    %dma_start3A_38 = tpu.memref_squeeze %dma_start3A_37 : memref<1x!tpu.dma_semaphore, #tpu.memory_space<semaphore_mem>> -> memref<!tpu.dma_semaphore, #tpu.memory_space<semaphore_mem>>
    %dma_start3A_39 = arith.constant 0 : i32
    %dma_start3A_40 = arith.constant 0 : i32
    %dma_start3A_41 = tpu.memref_slice %arg6[%rem3A_27, %dma_start3A_39, %dma_start3A_40] : memref<2x32x768xf32, #tpu.memory_space<vmem>> -> memref<1x32x768xf32, #tpu.memory_space<vmem>>
    %dma_start3A_42 = tpu.memref_squeeze %dma_start3A_41 : memref<1x32x768xf32, #tpu.memory_space<vmem>> -> memref<32x768xf32, #tpu.memory_space<vmem>>
    %dma_start3A_43 = arith.constant 0 : i32
    %dma_start3A_44 = tpu.memref_slice %arg3[%add3A_24, %dma_start3A_43] : memref<8192x768xf32, #tpu.memory_space<hbm>> -> memref<32x768xf32, #tpu.memory_space<hbm>>
    tpu.enqueue_dma source(%dma_start3A_44 : memref<32x768xf32, #tpu.memory_space<hbm>>) target(%dma_start3A_42 : memref<32x768xf32, #tpu.memory_space<vmem>>) target_semaphore(%dma_start3A_38 : memref<!tpu.dma_semaphore, #tpu.memory_space<semaphore_mem>>)
    %add3A_45 = arith.constant 0 : i32
    %add3A_46 = arith.addi %add3A_45, %mul3A_2 : i32
    %add3A_47 = arith.constant 0 : i32
    %add3A_48 = arith.addi %add3A_46, %add3A_47 : i32
    %rem3A_49 = arith.constant 0 : i32
    %rem3A_50 = arith.constant 3 : i32
    %rem3A_51 = arith.remsi %rem3A_49, %rem3A_50 : i32
    %rem3A_52 = arith.constant 0 : i32
    %rem3A_53 = arith.constant 3 : i32
    %rem3A_54 = arith.remsi %rem3A_52, %rem3A_53 : i32
    %dma_start3A_55 = arith.constant 0 : i32
    %dma_start3A_56 = arith.constant 0 : i32
    %dma_start3A_57 = tpu.memref_slice %arg5[%rem3A_51, %dma_start3A_55, %dma_start3A_56] : memref<3x32x768xf32, #tpu.memory_space<vmem>> -> memref<1x32x768xf32, #tpu.memory_space<vmem>>
    %dma_start3A_58 = tpu.memref_squeeze %dma_start3A_57 : memref<1x32x768xf32, #tpu.memory_space<vmem>> -> memref<32x768xf32, #tpu.memory_space<vmem>>
    %dma_start3A_59 = arith.constant 0 : i32
    %dma_start3A_60 = tpu.memref_slice %arg2[%add3A_48, %dma_start3A_59] : memref<32768x768xf32, #tpu.memory_space<hbm>> -> memref<32x768xf32, #tpu.memory_space<hbm>>
    %dma_start3A_61 = tpu.memref_slice %arg7[%rem3A_54] : memref<3x!tpu.dma_semaphore, #tpu.memory_space<semaphore_mem>> -> memref<1x!tpu.dma_semaphore, #tpu.memory_space<semaphore_mem>>
    %dma_start3A_62 = tpu.memref_squeeze %dma_start3A_61 : memref<1x!tpu.dma_semaphore, #tpu.memory_space<semaphore_mem>> -> memref<!tpu.dma_semaphore, #tpu.memory_space<semaphore_mem>>
    %dma_start3A_63 = arith.constant 0 : i32
    %dma_start3A_64 = arith.constant 0 : i32
    %dma_start3A_65 = tpu.memref_slice %arg5[%rem3A_51, %dma_start3A_63, %dma_start3A_64] : memref<3x32x768xf32, #tpu.memory_space<vmem>> -> memref<1x32x768xf32, #tpu.memory_space<vmem>>
    %dma_start3A_66 = tpu.memref_squeeze %dma_start3A_65 : memref<1x32x768xf32, #tpu.memory_space<vmem>> -> memref<32x768xf32, #tpu.memory_space<vmem>>
    %dma_start3A_67 = arith.constant 0 : i32
    %dma_start3A_68 = tpu.memref_slice %arg2[%add3A_48, %dma_start3A_67] : memref<32768x768xf32, #tpu.memory_space<hbm>> -> memref<32x768xf32, #tpu.memory_space<hbm>>
    tpu.enqueue_dma source(%dma_start3A_68 : memref<32x768xf32, #tpu.memory_space<hbm>>) target(%dma_start3A_66 : memref<32x768xf32, #tpu.memory_space<vmem>>) target_semaphore(%dma_start3A_62 : memref<!tpu.dma_semaphore, #tpu.memory_space<semaphore_mem>>)
    %add3A_69 = arith.constant 8192 : i32
    %add3A_70 = arith.addi %add3A_69, %mul3A_2 : i32
    %add3A_71 = arith.constant 0 : i32
    %add3A_72 = arith.addi %add3A_70, %add3A_71 : i32
    %rem3A_73 = arith.constant 1 : i32
    %rem3A_74 = arith.constant 3 : i32
    %rem3A_75 = arith.remsi %rem3A_73, %rem3A_74 : i32
    %rem3A_76 = arith.constant 1 : i32
    %rem3A_77 = arith.constant 3 : i32
    %rem3A_78 = arith.remsi %rem3A_76, %rem3A_77 : i32
    %dma_start3A_79 = arith.constant 0 : i32
    %dma_start3A_80 = arith.constant 0 : i32
    %dma_start3A_81 = tpu.memref_slice %arg5[%rem3A_75, %dma_start3A_79, %dma_start3A_80] : memref<3x32x768xf32, #tpu.memory_space<vmem>> -> memref<1x32x768xf32, #tpu.memory_space<vmem>>
    %dma_start3A_82 = tpu.memref_squeeze %dma_start3A_81 : memref<1x32x768xf32, #tpu.memory_space<vmem>> -> memref<32x768xf32, #tpu.memory_space<vmem>>
    %dma_start3A_83 = arith.constant 0 : i32
    %dma_start3A_84 = tpu.memref_slice %arg2[%add3A_72, %dma_start3A_83] : memref<32768x768xf32, #tpu.memory_space<hbm>> -> memref<32x768xf32, #tpu.memory_space<hbm>>
    %dma_start3A_85 = tpu.memref_slice %arg7[%rem3A_78] : memref<3x!tpu.dma_semaphore, #tpu.memory_space<semaphore_mem>> -> memref<1x!tpu.dma_semaphore, #tpu.memory_space<semaphore_mem>>
    %dma_start3A_86 = tpu.memref_squeeze %dma_start3A_85 : memref<1x!tpu.dma_semaphore, #tpu.memory_space<semaphore_mem>> -> memref<!tpu.dma_semaphore, #tpu.memory_space<semaphore_mem>>
    %dma_start3A_87 = arith.constant 0 : i32
    %dma_start3A_88 = arith.constant 0 : i32
    %dma_start3A_89 = tpu.memref_slice %arg5[%rem3A_75, %dma_start3A_87, %dma_start3A_88] : memref<3x32x768xf32, #tpu.memory_space<vmem>> -> memref<1x32x768xf32, #tpu.memory_space<vmem>>
    %dma_start3A_90 = tpu.memref_squeeze %dma_start3A_89 : memref<1x32x768xf32, #tpu.memory_space<vmem>> -> memref<32x768xf32, #tpu.memory_space<vmem>>
    %dma_start3A_91 = arith.constant 0 : i32
    %dma_start3A_92 = tpu.memref_slice %arg2[%add3A_72, %dma_start3A_91] : memref<32768x768xf32, #tpu.memory_space<hbm>> -> memref<32x768xf32, #tpu.memory_space<hbm>>
    tpu.enqueue_dma source(%dma_start3A_92 : memref<32x768xf32, #tpu.memory_space<hbm>>) target(%dma_start3A_90 : memref<32x768xf32, #tpu.memory_space<vmem>>) target_semaphore(%dma_start3A_86 : memref<!tpu.dma_semaphore, #tpu.memory_space<semaphore_mem>>)
    %add3A_93 = arith.constant 16384 : i32
    %add3A_94 = arith.addi %add3A_93, %mul3A_2 : i32
    %add3A_95 = arith.constant 0 : i32
    %add3A_96 = arith.addi %add3A_94, %add3A_95 : i32
    %rem3A_97 = arith.constant 2 : i32
    %rem3A_98 = arith.constant 3 : i32
    %rem3A_99 = arith.remsi %rem3A_97, %rem3A_98 : i32
    %rem3A_100 = arith.constant 2 : i32
    %rem3A_101 = arith.constant 3 : i32
    %rem3A_102 = arith.remsi %rem3A_100, %rem3A_101 : i32
    %dma_start3A_103 = arith.constant 0 : i32
    %dma_start3A_104 = arith.constant 0 : i32
    %dma_start3A_105 = tpu.memref_slice %arg5[%rem3A_99, %dma_start3A_103, %dma_start3A_104] : memref<3x32x768xf32, #tpu.memory_space<vmem>> -> memref<1x32x768xf32, #tpu.memory_space<vmem>>
    %dma_start3A_106 = tpu.memref_squeeze %dma_start3A_105 : memref<1x32x768xf32, #tpu.memory_space<vmem>> -> memref<32x768xf32, #tpu.memory_space<vmem>>
    %dma_start3A_107 = arith.constant 0 : i32
    %dma_start3A_108 = tpu.memref_slice %arg2[%add3A_96, %dma_start3A_107] : memref<32768x768xf32, #tpu.memory_space<hbm>> -> memref<32x768xf32, #tpu.memory_space<hbm>>
    %dma_start3A_109 = tpu.memref_slice %arg7[%rem3A_102] : memref<3x!tpu.dma_semaphore, #tpu.memory_space<semaphore_mem>> -> memref<1x!tpu.dma_semaphore, #tpu.memory_space<semaphore_mem>>
    %dma_start3A_110 = tpu.memref_squeeze %dma_start3A_109 : memref<1x!tpu.dma_semaphore, #tpu.memory_space<semaphore_mem>> -> memref<!tpu.dma_semaphore, #tpu.memory_space<semaphore_mem>>
    %dma_start3A_111 = arith.constant 0 : i32
    %dma_start3A_112 = arith.constant 0 : i32
    %dma_start3A_113 = tpu.memref_slice %arg5[%rem3A_99, %dma_start3A_111, %dma_start3A_112] : memref<3x32x768xf32, #tpu.memory_space<vmem>> -> memref<1x32x768xf32, #tpu.memory_space<vmem>>
    %dma_start3A_114 = tpu.memref_squeeze %dma_start3A_113 : memref<1x32x768xf32, #tpu.memory_space<vmem>> -> memref<32x768xf32, #tpu.memory_space<vmem>>
    %dma_start3A_115 = arith.constant 0 : i32
    %dma_start3A_116 = tpu.memref_slice %arg2[%add3A_96, %dma_start3A_115] : memref<32768x768xf32, #tpu.memory_space<hbm>> -> memref<32x768xf32, #tpu.memory_space<hbm>>
    tpu.enqueue_dma source(%dma_start3A_116 : memref<32x768xf32, #tpu.memory_space<hbm>>) target(%dma_start3A_114 : memref<32x768xf32, #tpu.memory_space<vmem>>) target_semaphore(%dma_start3A_110 : memref<!tpu.dma_semaphore, #tpu.memory_space<semaphore_mem>>)
    %scan3A = arith.constant 0 : i32
    %scan3A_117 = arith.constant 32 : i32
    %scan3A_118 = arith.addi %scan3A, %scan3A_117 : i32
    %scan3A_119 = arith.constant 1 : i32
    scf.for %scan3A_144 = %scan3A to %scan3A_118 step %scan3A_119  : i32 {
      %jit3A = arith.constant 4 : i32
      %div3A = arith.divsi %scan3A_144, %jit3A : i32
      %sign3A = arith.constant 0 : i32
      %sign3A_145 = arith.cmpi sgt, %scan3A_144, %sign3A : i32
      %sign3A_146 = arith.extui %sign3A_145 : i1 to i32
      %sign3A_147 = arith.constant 0 : i32
      %sign3A_148 = arith.cmpi slt, %scan3A_144, %sign3A_147 : i32
      %sign3A_149 = arith.extui %sign3A_148 : i1 to i32
      %sign3A_150 = arith.subi %sign3A_146, %sign3A_149 : i32
      %sign3A_151 = arith.constant 0 : i32
      %sign3A_152 = arith.cmpi sgt, %jit3A, %sign3A_151 : i32
      %sign3A_153 = arith.extui %sign3A_152 : i1 to i32
      %sign3A_154 = arith.constant 0 : i32
      %sign3A_155 = arith.cmpi slt, %jit3A, %sign3A_154 : i32
      %sign3A_156 = arith.extui %sign3A_155 : i1 to i32
      %sign3A_157 = arith.subi %sign3A_153, %sign3A_156 : i32
      %ne3A = arith.cmpi ne, %sign3A_150, %sign3A_157 : i32
      %rem3A_158 = arith.remsi %scan3A_144, %jit3A : i32
      %ne3A_159 = arith.constant 0 : i32
      %ne3A_160 = arith.cmpi ne, %rem3A_158, %ne3A_159 : i32
      %and3A = arith.andi %ne3A, %ne3A_160 : i1
      %sub3A = arith.constant 1 : i32
      %sub3A_161 = arith.subi %div3A, %sub3A : i32
      %select_n3A = arith.select %and3A, %sub3A_161, %div3A : i32
      %jit3A_162 = arith.constant 4 : i32
      %eq3A = arith.constant 0 : i32
      %eq3A_163 = arith.cmpi eq, %jit3A_162, %eq3A : i32
      %jit3A_164 = arith.constant 1 : i32
      %select_n3A_165 = arith.select %eq3A_163, %jit3A_164, %jit3A_162 : i32
      %rem3A_166 = arith.remsi %scan3A_144, %select_n3A_165 : i32
      %ne3A_167 = arith.constant 0 : i32
      %ne3A_168 = arith.cmpi ne, %rem3A_166, %ne3A_167 : i32
      %lt3A = arith.constant 0 : i32
      %lt3A_169 = arith.cmpi slt, %rem3A_166, %lt3A : i32
      %lt3A_170 = arith.constant 0 : i32
      %lt3A_171 = arith.cmpi slt, %select_n3A_165, %lt3A_170 : i32
      %ne3A_172 = arith.xori %lt3A_169, %lt3A_171 : i1
      %and3A_173 = arith.andi %ne3A_172, %ne3A_168 : i1
      %add3A_174 = arith.addi %rem3A_166, %select_n3A_165 : i32
      %select_n3A_175 = arith.select %and3A_173, %add3A_174, %rem3A_166 : i32
      %rem3A_176 = arith.constant 2 : i32
      %rem3A_177 = arith.remsi %select_n3A, %rem3A_176 : i32
      %ge3A = arith.constant 1 : i32
      %ge3A_178 = arith.cmpi sge, %scan3A_144, %ge3A : i32
      %convert_element_type3A = arith.extui %ge3A_178 : i1 to i32
      %cond3A = arith.constant 0 : i32
      %cond3A_179 = arith.cmpi ne, %convert_element_type3A, %cond3A : i32
      scf.if %cond3A_179 {
        %sub3A_330 = arith.constant 1 : i32
        %sub3A_331 = arith.subi %scan3A_144, %sub3A_330 : i32
        %rem3A_332 = arith.constant 3 : i32
        %rem3A_333 = arith.remsi %sub3A_331, %rem3A_332 : i32
        %jit3A_334 = arith.constant 4 : i32
        %eq3A_335 = arith.constant 0 : i32
        %eq3A_336 = arith.cmpi eq, %jit3A_334, %eq3A_335 : i32
        %jit3A_337 = arith.constant 1 : i32
        %select_n3A_338 = arith.select %eq3A_336, %jit3A_337, %jit3A_334 : i32
        %rem3A_339 = arith.remsi %sub3A_331, %select_n3A_338 : i32
        %ne3A_340 = arith.constant 0 : i32
        %ne3A_341 = arith.cmpi ne, %rem3A_339, %ne3A_340 : i32
        %lt3A_342 = arith.constant 0 : i32
        %lt3A_343 = arith.cmpi slt, %rem3A_339, %lt3A_342 : i32
        %lt3A_344 = arith.constant 0 : i32
        %lt3A_345 = arith.cmpi slt, %select_n3A_338, %lt3A_344 : i32
        %ne3A_346 = arith.xori %lt3A_343, %lt3A_345 : i1
        %and3A_347 = arith.andi %ne3A_346, %ne3A_341 : i1
        %add3A_348 = arith.addi %rem3A_339, %select_n3A_338 : i32
        %select_n3A_349 = arith.select %and3A_347, %add3A_348, %rem3A_339 : i32
        %mul3A_350 = arith.constant 8192 : i32
        %mul3A_351 = arith.muli %select_n3A_349, %mul3A_350 : i32
        %add3A_352 = arith.addi %mul3A_351, %mul3A_2 : i32
        %jit3A_353 = arith.constant 4 : i32
        %div3A_354 = arith.divsi %sub3A_331, %jit3A_353 : i32
        %sign3A_355 = arith.constant 0 : i32
        %sign3A_356 = arith.cmpi sgt, %sub3A_331, %sign3A_355 : i32
        %sign3A_357 = arith.extui %sign3A_356 : i1 to i32
        %sign3A_358 = arith.constant 0 : i32
        %sign3A_359 = arith.cmpi slt, %sub3A_331, %sign3A_358 : i32
        %sign3A_360 = arith.extui %sign3A_359 : i1 to i32
        %sign3A_361 = arith.subi %sign3A_357, %sign3A_360 : i32
        %sign3A_362 = arith.constant 0 : i32
        %sign3A_363 = arith.cmpi sgt, %jit3A_353, %sign3A_362 : i32
        %sign3A_364 = arith.extui %sign3A_363 : i1 to i32
        %sign3A_365 = arith.constant 0 : i32
        %sign3A_366 = arith.cmpi slt, %jit3A_353, %sign3A_365 : i32
        %sign3A_367 = arith.extui %sign3A_366 : i1 to i32
        %sign3A_368 = arith.subi %sign3A_364, %sign3A_367 : i32
        %ne3A_369 = arith.cmpi ne, %sign3A_361, %sign3A_368 : i32
        %rem3A_370 = arith.remsi %sub3A_331, %jit3A_353 : i32
        %ne3A_371 = arith.constant 0 : i32
        %ne3A_372 = arith.cmpi ne, %rem3A_370, %ne3A_371 : i32
        %and3A_373 = arith.andi %ne3A_369, %ne3A_372 : i1
        %sub3A_374 = arith.constant 1 : i32
        %sub3A_375 = arith.subi %div3A_354, %sub3A_374 : i32
        %select_n3A_376 = arith.select %and3A_373, %sub3A_375, %div3A_354 : i32
        %mul3A_377 = arith.constant 32 : i32
        %mul3A_378 = arith.muli %select_n3A_376, %mul3A_377 : i32
        %add3A_379 = arith.addi %add3A_352, %mul3A_378 : i32
        %rem3A_380 = arith.constant 3 : i32
        %rem3A_381 = arith.remsi %sub3A_331, %rem3A_380 : i32
        %dma_wait3A_382 = arith.constant 0 : i32
        %dma_wait3A_383 = arith.constant 0 : i32
        %dma_wait3A_384 = tpu.memref_slice %arg5[%rem3A_333, %dma_wait3A_382, %dma_wait3A_383] : memref<3x32x768xf32, #tpu.memory_space<vmem>> -> memref<1x32x768xf32, #tpu.memory_space<vmem>>
        %dma_wait3A_385 = tpu.memref_squeeze %dma_wait3A_384 : memref<1x32x768xf32, #tpu.memory_space<vmem>> -> memref<32x768xf32, #tpu.memory_space<vmem>>
        %dma_wait3A_386 = arith.constant 0 : i32
        %dma_wait3A_387 = tpu.memref_slice %arg4[%add3A_379, %dma_wait3A_386] : memref<32768x768xf32, #tpu.memory_space<hbm>> -> memref<32x768xf32, #tpu.memory_space<hbm>>
        %dma_wait3A_388 = tpu.memref_slice %arg8[%rem3A_381] : memref<3x!tpu.dma_semaphore, #tpu.memory_space<semaphore_mem>> -> memref<1x!tpu.dma_semaphore, #tpu.memory_space<semaphore_mem>>
        %dma_wait3A_389 = tpu.memref_squeeze %dma_wait3A_388 : memref<1x!tpu.dma_semaphore, #tpu.memory_space<semaphore_mem>> -> memref<!tpu.dma_semaphore, #tpu.memory_space<semaphore_mem>>
        %dma_wait3A_390 = arith.constant 0 : i32
        %dma_wait3A_391 = tpu.memref_slice %arg4[%add3A_379, %dma_wait3A_390] : memref<32768x768xf32, #tpu.memory_space<hbm>> -> memref<32x768xf32, #tpu.memory_space<hbm>>
        %dma_wait3A_392 = arith.constant 0 : i32
        %dma_wait3A_393 = arith.constant 0 : i32
        %dma_wait3A_394 = tpu.memref_slice %arg5[%rem3A_333, %dma_wait3A_392, %dma_wait3A_393] : memref<3x32x768xf32, #tpu.memory_space<vmem>> -> memref<1x32x768xf32, #tpu.memory_space<vmem>>
        %dma_wait3A_395 = tpu.memref_squeeze %dma_wait3A_394 : memref<1x32x768xf32, #tpu.memory_space<vmem>> -> memref<32x768xf32, #tpu.memory_space<vmem>>
        tpu.wait_dma2 semaphore(%dma_wait3A_389 : memref<!tpu.dma_semaphore, #tpu.memory_space<semaphore_mem>>) src(%dma_wait3A_395 : memref<32x768xf32, #tpu.memory_space<vmem>>) dst(%dma_wait3A_391 : memref<32x768xf32, #tpu.memory_space<hbm>>)
        %sub3A_396 = arith.constant 1 : i32
        %sub3A_397 = arith.subi %scan3A_144, %sub3A_396 : i32
        %add3A_398 = arith.constant 3 : i32
        %add3A_399 = arith.addi %sub3A_397, %add3A_398 : i32
        %lt3A_400 = arith.constant 32 : i32
        %lt3A_401 = arith.cmpi slt, %add3A_399, %lt3A_400 : i32
        %convert_element_type3A_402 = arith.extui %lt3A_401 : i1 to i32
        %cond3A_403 = arith.constant 0 : i32
        %cond3A_404 = arith.cmpi ne, %convert_element_type3A_402, %cond3A_403 : i32
        scf.if %cond3A_404 {
          %sub3A_405 = arith.constant 1 : i32
          %sub3A_406 = arith.subi %scan3A_144, %sub3A_405 : i32
          %add3A_407 = arith.constant 3 : i32
          %add3A_408 = arith.addi %sub3A_406, %add3A_407 : i32
          %jit3A_409 = arith.constant 4 : i32
          %eq3A_410 = arith.constant 0 : i32
          %eq3A_411 = arith.cmpi eq, %jit3A_409, %eq3A_410 : i32
          %jit3A_412 = arith.constant 1 : i32
          %select_n3A_413 = arith.select %eq3A_411, %jit3A_412, %jit3A_409 : i32
          %rem3A_414 = arith.remsi %add3A_408, %select_n3A_413 : i32
          %ne3A_415 = arith.constant 0 : i32
          %ne3A_416 = arith.cmpi ne, %rem3A_414, %ne3A_415 : i32
          %lt3A_417 = arith.constant 0 : i32
          %lt3A_418 = arith.cmpi slt, %rem3A_414, %lt3A_417 : i32
          %lt3A_419 = arith.constant 0 : i32
          %lt3A_420 = arith.cmpi slt, %select_n3A_413, %lt3A_419 : i32
          %ne3A_421 = arith.xori %lt3A_418, %lt3A_420 : i1
          %and3A_422 = arith.andi %ne3A_421, %ne3A_416 : i1
          %add3A_423 = arith.addi %rem3A_414, %select_n3A_413 : i32
          %select_n3A_424 = arith.select %and3A_422, %add3A_423, %rem3A_414 : i32
          %mul3A_425 = arith.constant 8192 : i32
          %mul3A_426 = arith.muli %select_n3A_424, %mul3A_425 : i32
          %add3A_427 = arith.addi %mul3A_426, %mul3A_2 : i32
          %jit3A_428 = arith.constant 4 : i32
          %div3A_429 = arith.divsi %add3A_408, %jit3A_428 : i32
          %sign3A_430 = arith.constant 0 : i32
          %sign3A_431 = arith.cmpi sgt, %add3A_408, %sign3A_430 : i32
          %sign3A_432 = arith.extui %sign3A_431 : i1 to i32
          %sign3A_433 = arith.constant 0 : i32
          %sign3A_434 = arith.cmpi slt, %add3A_408, %sign3A_433 : i32
          %sign3A_435 = arith.extui %sign3A_434 : i1 to i32
          %sign3A_436 = arith.subi %sign3A_432, %sign3A_435 : i32
          %sign3A_437 = arith.constant 0 : i32
          %sign3A_438 = arith.cmpi sgt, %jit3A_428, %sign3A_437 : i32
          %sign3A_439 = arith.extui %sign3A_438 : i1 to i32
          %sign3A_440 = arith.constant 0 : i32
          %sign3A_441 = arith.cmpi slt, %jit3A_428, %sign3A_440 : i32
          %sign3A_442 = arith.extui %sign3A_441 : i1 to i32
          %sign3A_443 = arith.subi %sign3A_439, %sign3A_442 : i32
          %ne3A_444 = arith.cmpi ne, %sign3A_436, %sign3A_443 : i32
          %rem3A_445 = arith.remsi %add3A_408, %jit3A_428 : i32
          %ne3A_446 = arith.constant 0 : i32
          %ne3A_447 = arith.cmpi ne, %rem3A_445, %ne3A_446 : i32
          %and3A_448 = arith.andi %ne3A_444, %ne3A_447 : i1
          %sub3A_449 = arith.constant 1 : i32
          %sub3A_450 = arith.subi %div3A_429, %sub3A_449 : i32
          %select_n3A_451 = arith.select %and3A_448, %sub3A_450, %div3A_429 : i32
          %mul3A_452 = arith.constant 32 : i32
          %mul3A_453 = arith.muli %select_n3A_451, %mul3A_452 : i32
          %add3A_454 = arith.addi %add3A_427, %mul3A_453 : i32
          %rem3A_455 = arith.constant 3 : i32
          %rem3A_456 = arith.remsi %add3A_408, %rem3A_455 : i32
          %rem3A_457 = arith.constant 3 : i32
          %rem3A_458 = arith.remsi %add3A_408, %rem3A_457 : i32
          %dma_start3A_459 = arith.constant 0 : i32
          %dma_start3A_460 = arith.constant 0 : i32
          %dma_start3A_461 = tpu.memref_slice %arg5[%rem3A_456, %dma_start3A_459, %dma_start3A_460] : memref<3x32x768xf32, #tpu.memory_space<vmem>> -> memref<1x32x768xf32, #tpu.memory_space<vmem>>
          %dma_start3A_462 = tpu.memref_squeeze %dma_start3A_461 : memref<1x32x768xf32, #tpu.memory_space<vmem>> -> memref<32x768xf32, #tpu.memory_space<vmem>>
          %dma_start3A_463 = arith.constant 0 : i32
          %dma_start3A_464 = tpu.memref_slice %arg2[%add3A_454, %dma_start3A_463] : memref<32768x768xf32, #tpu.memory_space<hbm>> -> memref<32x768xf32, #tpu.memory_space<hbm>>
          %dma_start3A_465 = tpu.memref_slice %arg7[%rem3A_458] : memref<3x!tpu.dma_semaphore, #tpu.memory_space<semaphore_mem>> -> memref<1x!tpu.dma_semaphore, #tpu.memory_space<semaphore_mem>>
          %dma_start3A_466 = tpu.memref_squeeze %dma_start3A_465 : memref<1x!tpu.dma_semaphore, #tpu.memory_space<semaphore_mem>> -> memref<!tpu.dma_semaphore, #tpu.memory_space<semaphore_mem>>
          %dma_start3A_467 = arith.constant 0 : i32
          %dma_start3A_468 = arith.constant 0 : i32
          %dma_start3A_469 = tpu.memref_slice %arg5[%rem3A_456, %dma_start3A_467, %dma_start3A_468] : memref<3x32x768xf32, #tpu.memory_space<vmem>> -> memref<1x32x768xf32, #tpu.memory_space<vmem>>
          %dma_start3A_470 = tpu.memref_squeeze %dma_start3A_469 : memref<1x32x768xf32, #tpu.memory_space<vmem>> -> memref<32x768xf32, #tpu.memory_space<vmem>>
          %dma_start3A_471 = arith.constant 0 : i32
          %dma_start3A_472 = tpu.memref_slice %arg2[%add3A_454, %dma_start3A_471] : memref<32768x768xf32, #tpu.memory_space<hbm>> -> memref<32x768xf32, #tpu.memory_space<hbm>>
          tpu.enqueue_dma source(%dma_start3A_472 : memref<32x768xf32, #tpu.memory_space<hbm>>) target(%dma_start3A_470 : memref<32x768xf32, #tpu.memory_space<vmem>>) target_semaphore(%dma_start3A_466 : memref<!tpu.dma_semaphore, #tpu.memory_space<semaphore_mem>>)
        } else {
        }
      } else {
      }
      %jit3A_180 = arith.constant 4 : i32
      %eq3A_181 = arith.constant 0 : i32
      %eq3A_182 = arith.cmpi eq, %jit3A_180, %eq3A_181 : i32
      %jit3A_183 = arith.constant 1 : i32
      %select_n3A_184 = arith.select %eq3A_182, %jit3A_183, %jit3A_180 : i32
      %rem3A_185 = arith.remsi %scan3A_144, %select_n3A_184 : i32
      %ne3A_186 = arith.constant 0 : i32
      %ne3A_187 = arith.cmpi ne, %rem3A_185, %ne3A_186 : i32
      %lt3A_188 = arith.constant 0 : i32
      %lt3A_189 = arith.cmpi slt, %rem3A_185, %lt3A_188 : i32
      %lt3A_190 = arith.constant 0 : i32
      %lt3A_191 = arith.cmpi slt, %select_n3A_184, %lt3A_190 : i32
      %ne3A_192 = arith.xori %lt3A_189, %lt3A_191 : i1
      %and3A_193 = arith.andi %ne3A_192, %ne3A_187 : i1
      %add3A_194 = arith.addi %rem3A_185, %select_n3A_184 : i32
      %select_n3A_195 = arith.select %and3A_193, %add3A_194, %rem3A_185 : i32
      %mul3A_196 = arith.constant 8192 : i32
      %mul3A_197 = arith.muli %select_n3A_195, %mul3A_196 : i32
      %add3A_198 = arith.addi %mul3A_197, %mul3A_2 : i32
      %jit3A_199 = arith.constant 4 : i32
      %div3A_200 = arith.divsi %scan3A_144, %jit3A_199 : i32
      %sign3A_201 = arith.constant 0 : i32
      %sign3A_202 = arith.cmpi sgt, %scan3A_144, %sign3A_201 : i32
      %sign3A_203 = arith.extui %sign3A_202 : i1 to i32
      %sign3A_204 = arith.constant 0 : i32
      %sign3A_205 = arith.cmpi slt, %scan3A_144, %sign3A_204 : i32
      %sign3A_206 = arith.extui %sign3A_205 : i1 to i32
      %sign3A_207 = arith.subi %sign3A_203, %sign3A_206 : i32
      %sign3A_208 = arith.constant 0 : i32
      %sign3A_209 = arith.cmpi sgt, %jit3A_199, %sign3A_208 : i32
      %sign3A_210 = arith.extui %sign3A_209 : i1 to i32
      %sign3A_211 = arith.constant 0 : i32
      %sign3A_212 = arith.cmpi slt, %jit3A_199, %sign3A_211 : i32
      %sign3A_213 = arith.extui %sign3A_212 : i1 to i32
      %sign3A_214 = arith.subi %sign3A_210, %sign3A_213 : i32
      %ne3A_215 = arith.cmpi ne, %sign3A_207, %sign3A_214 : i32
      %rem3A_216 = arith.remsi %scan3A_144, %jit3A_199 : i32
      %ne3A_217 = arith.constant 0 : i32
      %ne3A_218 = arith.cmpi ne, %rem3A_216, %ne3A_217 : i32
      %and3A_219 = arith.andi %ne3A_215, %ne3A_218 : i1
      %sub3A_220 = arith.constant 1 : i32
      %sub3A_221 = arith.subi %div3A_200, %sub3A_220 : i32
      %select_n3A_222 = arith.select %and3A_219, %sub3A_221, %div3A_200 : i32
      %mul3A_223 = arith.constant 32 : i32
      %mul3A_224 = arith.muli %select_n3A_222, %mul3A_223 : i32
      %add3A_225 = arith.addi %add3A_198, %mul3A_224 : i32
      %rem3A_226 = arith.constant 3 : i32
      %rem3A_227 = arith.remsi %scan3A_144, %rem3A_226 : i32
      %rem3A_228 = arith.constant 3 : i32
      %rem3A_229 = arith.remsi %scan3A_144, %rem3A_228 : i32
      %dma_wait3A_230 = arith.constant 0 : i32
      %dma_wait3A_231 = arith.constant 0 : i32
      %dma_wait3A_232 = tpu.memref_slice %arg5[%rem3A_227, %dma_wait3A_230, %dma_wait3A_231] : memref<3x32x768xf32, #tpu.memory_space<vmem>> -> memref<1x32x768xf32, #tpu.memory_space<vmem>>
      %dma_wait3A_233 = tpu.memref_squeeze %dma_wait3A_232 : memref<1x32x768xf32, #tpu.memory_space<vmem>> -> memref<32x768xf32, #tpu.memory_space<vmem>>
      %dma_wait3A_234 = arith.constant 0 : i32
      %dma_wait3A_235 = tpu.memref_slice %arg2[%add3A_225, %dma_wait3A_234] : memref<32768x768xf32, #tpu.memory_space<hbm>> -> memref<32x768xf32, #tpu.memory_space<hbm>>
      %dma_wait3A_236 = tpu.memref_slice %arg7[%rem3A_229] : memref<3x!tpu.dma_semaphore, #tpu.memory_space<semaphore_mem>> -> memref<1x!tpu.dma_semaphore, #tpu.memory_space<semaphore_mem>>
      %dma_wait3A_237 = tpu.memref_squeeze %dma_wait3A_236 : memref<1x!tpu.dma_semaphore, #tpu.memory_space<semaphore_mem>> -> memref<!tpu.dma_semaphore, #tpu.memory_space<semaphore_mem>>
      %dma_wait3A_238 = arith.constant 0 : i32
      %dma_wait3A_239 = arith.constant 0 : i32
      %dma_wait3A_240 = tpu.memref_slice %arg5[%rem3A_227, %dma_wait3A_238, %dma_wait3A_239] : memref<3x32x768xf32, #tpu.memory_space<vmem>> -> memref<1x32x768xf32, #tpu.memory_space<vmem>>
      %dma_wait3A_241 = tpu.memref_squeeze %dma_wait3A_240 : memref<1x32x768xf32, #tpu.memory_space<vmem>> -> memref<32x768xf32, #tpu.memory_space<vmem>>
      %dma_wait3A_242 = arith.constant 0 : i32
      %dma_wait3A_243 = tpu.memref_slice %arg2[%add3A_225, %dma_wait3A_242] : memref<32768x768xf32, #tpu.memory_space<hbm>> -> memref<32x768xf32, #tpu.memory_space<hbm>>
      tpu.wait_dma2 semaphore(%dma_wait3A_237 : memref<!tpu.dma_semaphore, #tpu.memory_space<semaphore_mem>>) src(%dma_wait3A_243 : memref<32x768xf32, #tpu.memory_space<hbm>>) dst(%dma_wait3A_241 : memref<32x768xf32, #tpu.memory_space<vmem>>)
      %eq3A_244 = arith.constant 0 : i32
      %eq3A_245 = arith.cmpi eq, %select_n3A_175, %eq3A_244 : i32
      %convert_element_type3A_246 = arith.extui %eq3A_245 : i1 to i32
      %cond3A_247 = arith.constant 0 : i32
      %cond3A_248 = arith.cmpi ne, %convert_element_type3A_246, %cond3A_247 : i32
      scf.if %cond3A_248 {
        %mul3A_330 = arith.constant 32 : i32
        %mul3A_331 = arith.muli %select_n3A, %mul3A_330 : i32
        %add3A_332 = arith.addi %mul3A_2, %mul3A_331 : i32
        %rem3A_333 = arith.constant 2 : i32
        %rem3A_334 = arith.remsi %select_n3A, %rem3A_333 : i32
        %rem3A_335 = arith.constant 2 : i32
        %rem3A_336 = arith.remsi %select_n3A, %rem3A_335 : i32
        %dma_wait3A_337 = arith.constant 0 : i32
        %dma_wait3A_338 = arith.constant 0 : i32
        %dma_wait3A_339 = tpu.memref_slice %arg6[%rem3A_334, %dma_wait3A_337, %dma_wait3A_338] : memref<2x32x768xf32, #tpu.memory_space<vmem>> -> memref<1x32x768xf32, #tpu.memory_space<vmem>>
        %dma_wait3A_340 = tpu.memref_squeeze %dma_wait3A_339 : memref<1x32x768xf32, #tpu.memory_space<vmem>> -> memref<32x768xf32, #tpu.memory_space<vmem>>
        %dma_wait3A_341 = arith.constant 0 : i32
        %dma_wait3A_342 = tpu.memref_slice %arg3[%add3A_332, %dma_wait3A_341] : memref<8192x768xf32, #tpu.memory_space<hbm>> -> memref<32x768xf32, #tpu.memory_space<hbm>>
        %dma_wait3A_343 = tpu.memref_slice %arg9[%rem3A_336] : memref<2x!tpu.dma_semaphore, #tpu.memory_space<semaphore_mem>> -> memref<1x!tpu.dma_semaphore, #tpu.memory_space<semaphore_mem>>
        %dma_wait3A_344 = tpu.memref_squeeze %dma_wait3A_343 : memref<1x!tpu.dma_semaphore, #tpu.memory_space<semaphore_mem>> -> memref<!tpu.dma_semaphore, #tpu.memory_space<semaphore_mem>>
        %dma_wait3A_345 = arith.constant 0 : i32
        %dma_wait3A_346 = arith.constant 0 : i32
        %dma_wait3A_347 = tpu.memref_slice %arg6[%rem3A_334, %dma_wait3A_345, %dma_wait3A_346] : memref<2x32x768xf32, #tpu.memory_space<vmem>> -> memref<1x32x768xf32, #tpu.memory_space<vmem>>
        %dma_wait3A_348 = tpu.memref_squeeze %dma_wait3A_347 : memref<1x32x768xf32, #tpu.memory_space<vmem>> -> memref<32x768xf32, #tpu.memory_space<vmem>>
        %dma_wait3A_349 = arith.constant 0 : i32
        %dma_wait3A_350 = tpu.memref_slice %arg3[%add3A_332, %dma_wait3A_349] : memref<8192x768xf32, #tpu.memory_space<hbm>> -> memref<32x768xf32, #tpu.memory_space<hbm>>
        tpu.wait_dma2 semaphore(%dma_wait3A_344 : memref<!tpu.dma_semaphore, #tpu.memory_space<semaphore_mem>>) src(%dma_wait3A_350 : memref<32x768xf32, #tpu.memory_space<hbm>>) dst(%dma_wait3A_348 : memref<32x768xf32, #tpu.memory_space<vmem>>)
      } else {
      }
      %rem3A_249 = arith.constant 3 : i32
      %rem3A_250 = arith.remsi %scan3A_144, %rem3A_249 : i32
      %scan3A_251 = arith.constant 0 : i32
      %scan3A_252 = arith.constant 32 : i32
      %scan3A_253 = arith.addi %scan3A_251, %scan3A_252 : i32
      %scan3A_254 = arith.constant 1 : i32
      scf.for %scan3A_330 = %scan3A_251 to %scan3A_253 step %scan3A_254  : i32 {
        %get3A = arith.index_cast %rem3A_177 : i32 to index
        %get3A_331 = arith.index_cast %scan3A_330 : i32 to index
        %get3A_332 = arith.constant 0 : index
        %get3A_333 = tpu.vector_load %arg6[%get3A, %get3A_331, %get3A_332] {strides = array<i32>} : memref<2x32x768xf32, #tpu.memory_space<vmem>>, vector<1x1x16xf32>,
        %get3A_334 = vector.shape_cast %get3A_333 : vector<1x1x16xf32> to vector<16xf32>
        %swap3A = arith.index_cast %rem3A_250 : i32 to index
        %swap3A_335 = arith.index_cast %scan3A_330 : i32 to index
        %swap3A_336 = arith.constant 0 : index
        %swap3A_337 = tpu.vector_load %arg5[%swap3A, %swap3A_335, %swap3A_336] {strides = array<i32>} : memref<3x32x768xf32, #tpu.memory_space<vmem>>, vector<1x1x16xf32>,
        %swap3A_338 = vector.shape_cast %swap3A_337 : vector<1x1x16xf32> to vector<16xf32>
        %swap3A_339 = vector.shape_cast %get3A_334 : vector<16xf32> to vector<1x1x16xf32>
        tpu.vector_store %arg5[%swap3A, %swap3A_335, %swap3A_336], %swap3A_339 {add = true, strides = array<i32>} : memref<3x32x768xf32, #tpu.memory_space<vmem>>, vector<1x1x16xf32>,
        %get3A_340 = arith.index_cast %rem3A_177 : i32 to index
        %get3A_341 = arith.index_cast %scan3A_330 : i32 to index
        %get3A_342 = arith.constant 16 : index
        %get3A_343 = tpu.vector_load %arg6[%get3A_340, %get3A_341, %get3A_342] {strides = array<i32>} : memref<2x32x768xf32, #tpu.memory_space<vmem>>, vector<1x1x16xf32>,
        %get3A_344 = vector.shape_cast %get3A_343 : vector<1x1x16xf32> to vector<16xf32>
        %swap3A_345 = arith.index_cast %rem3A_250 : i32 to index
        %swap3A_346 = arith.index_cast %scan3A_330 : i32 to index
        %swap3A_347 = arith.constant 16 : index
        %swap3A_348 = tpu.vector_load %arg5[%swap3A_345, %swap3A_346, %swap3A_347] {strides = array<i32>} : memref<3x32x768xf32, #tpu.memory_space<vmem>>, vector<1x1x16xf32>,
        %swap3A_349 = vector.shape_cast %swap3A_348 : vector<1x1x16xf32> to vector<16xf32>
        %swap3A_350 = vector.shape_cast %get3A_344 : vector<16xf32> to vector<1x1x16xf32>
        tpu.vector_store %arg5[%swap3A_345, %swap3A_346, %swap3A_347], %swap3A_350 {add = true, strides = array<i32>} : memref<3x32x768xf32, #tpu.memory_space<vmem>>, vector<1x1x16xf32>,
        %get3A_351 = arith.index_cast %rem3A_177 : i32 to index
        %get3A_352 = arith.index_cast %scan3A_330 : i32 to index
        %get3A_353 = arith.constant 32 : index
        %get3A_354 = tpu.vector_load %arg6[%get3A_351, %get3A_352, %get3A_353] {strides = array<i32>} : memref<2x32x768xf32, #tpu.memory_space<vmem>>, vector<1x1x16xf32>,
        %get3A_355 = vector.shape_cast %get3A_354 : vector<1x1x16xf32> to vector<16xf32>
        %swap3A_356 = arith.index_cast %rem3A_250 : i32 to index
        %swap3A_357 = arith.index_cast %scan3A_330 : i32 to index
        %swap3A_358 = arith.constant 32 : index
        %swap3A_359 = tpu.vector_load %arg5[%swap3A_356, %swap3A_357, %swap3A_358] {strides = array<i32>} : memref<3x32x768xf32, #tpu.memory_space<vmem>>, vector<1x1x16xf32>,
        %swap3A_360 = vector.shape_cast %swap3A_359 : vector<1x1x16xf32> to vector<16xf32>
        %swap3A_361 = vector.shape_cast %get3A_355 : vector<16xf32> to vector<1x1x16xf32>
        tpu.vector_store %arg5[%swap3A_356, %swap3A_357, %swap3A_358], %swap3A_361 {add = true, strides = array<i32>} : memref<3x32x768xf32, #tpu.memory_space<vmem>>, vector<1x1x16xf32>,
        %get3A_362 = arith.index_cast %rem3A_177 : i32 to index
        %get3A_363 = arith.index_cast %scan3A_330 : i32 to index
        %get3A_364 = arith.constant 48 : index
        %get3A_365 = tpu.vector_load %arg6[%get3A_362, %get3A_363, %get3A_364] {strides = array<i32>} : memref<2x32x768xf32, #tpu.memory_space<vmem>>, vector<1x1x16xf32>,
        %get3A_366 = vector.shape_cast %get3A_365 : vector<1x1x16xf32> to vector<16xf32>
        %swap3A_367 = arith.index_cast %rem3A_250 : i32 to index
        %swap3A_368 = arith.index_cast %scan3A_330 : i32 to index
        %swap3A_369 = arith.constant 48 : index
        %swap3A_370 = tpu.vector_load %arg5[%swap3A_367, %swap3A_368, %swap3A_369] {strides = array<i32>} : memref<3x32x768xf32, #tpu.memory_space<vmem>>, vector<1x1x16xf32>,
        %swap3A_371 = vector.shape_cast %swap3A_370 : vector<1x1x16xf32> to vector<16xf32>
        %swap3A_372 = vector.shape_cast %get3A_366 : vector<16xf32> to vector<1x1x16xf32>
        tpu.vector_store %arg5[%swap3A_367, %swap3A_368, %swap3A_369], %swap3A_372 {add = true, strides = array<i32>} : memref<3x32x768xf32, #tpu.memory_space<vmem>>, vector<1x1x16xf32>,
        %get3A_373 = arith.index_cast %rem3A_177 : i32 to index
        %get3A_374 = arith.index_cast %scan3A_330 : i32 to index
        %get3A_375 = arith.constant 64 : index
        %get3A_376 = tpu.vector_load %arg6[%get3A_373, %get3A_374, %get3A_375] {strides = array<i32>} : memref<2x32x768xf32, #tpu.memory_space<vmem>>, vector<1x1x16xf32>,
        %get3A_377 = vector.shape_cast %get3A_376 : vector<1x1x16xf32> to vector<16xf32>
        %swap3A_378 = arith.index_cast %rem3A_250 : i32 to index
        %swap3A_379 = arith.index_cast %scan3A_330 : i32 to index
        %swap3A_380 = arith.constant 64 : index
        %swap3A_381 = tpu.vector_load %arg5[%swap3A_378, %swap3A_379, %swap3A_380] {strides = array<i32>} : memref<3x32x768xf32, #tpu.memory_space<vmem>>, vector<1x1x16xf32>,
        %swap3A_382 = vector.shape_cast %swap3A_381 : vector<1x1x16xf32> to vector<16xf32>
        %swap3A_383 = vector.shape_cast %get3A_377 : vector<16xf32> to vector<1x1x16xf32>
        tpu.vector_store %arg5[%swap3A_378, %swap3A_379, %swap3A_380], %swap3A_383 {add = true, strides = array<i32>} : memref<3x32x768xf32, #tpu.memory_space<vmem>>, vector<1x1x16xf32>,
        %get3A_384 = arith.index_cast %rem3A_177 : i32 to index
        %get3A_385 = arith.index_cast %scan3A_330 : i32 to index
        %get3A_386 = arith.constant 80 : index
        %get3A_387 = tpu.vector_load %arg6[%get3A_384, %get3A_385, %get3A_386] {strides = array<i32>} : memref<2x32x768xf32, #tpu.memory_space<vmem>>, vector<1x1x16xf32>,
        %get3A_388 = vector.shape_cast %get3A_387 : vector<1x1x16xf32> to vector<16xf32>
        %swap3A_389 = arith.index_cast %rem3A_250 : i32 to index
        %swap3A_390 = arith.index_cast %scan3A_330 : i32 to index
        %swap3A_391 = arith.constant 80 : index
        %swap3A_392 = tpu.vector_load %arg5[%swap3A_389, %swap3A_390, %swap3A_391] {strides = array<i32>} : memref<3x32x768xf32, #tpu.memory_space<vmem>>, vector<1x1x16xf32>,
        %swap3A_393 = vector.shape_cast %swap3A_392 : vector<1x1x16xf32> to vector<16xf32>
        %swap3A_394 = vector.shape_cast %get3A_388 : vector<16xf32> to vector<1x1x16xf32>
        tpu.vector_store %arg5[%swap3A_389, %swap3A_390, %swap3A_391], %swap3A_394 {add = true, strides = array<i32>} : memref<3x32x768xf32, #tpu.memory_space<vmem>>, vector<1x1x16xf32>,
        %get3A_395 = arith.index_cast %rem3A_177 : i32 to index
        %get3A_396 = arith.index_cast %scan3A_330 : i32 to index
        %get3A_397 = arith.constant 96 : index
        %get3A_398 = tpu.vector_load %arg6[%get3A_395, %get3A_396, %get3A_397] {strides = array<i32>} : memref<2x32x768xf32, #tpu.memory_space<vmem>>, vector<1x1x16xf32>,
        %get3A_399 = vector.shape_cast %get3A_398 : vector<1x1x16xf32> to vector<16xf32>
        %swap3A_400 = arith.index_cast %rem3A_250 : i32 to index
        %swap3A_401 = arith.index_cast %scan3A_330 : i32 to index
        %swap3A_402 = arith.constant 96 : index
        %swap3A_403 = tpu.vector_load %arg5[%swap3A_400, %swap3A_401, %swap3A_402] {strides = array<i32>} : memref<3x32x768xf32, #tpu.memory_space<vmem>>, vector<1x1x16xf32>,
        %swap3A_404 = vector.shape_cast %swap3A_403 : vector<1x1x16xf32> to vector<16xf32>
        %swap3A_405 = vector.shape_cast %get3A_399 : vector<16xf32> to vector<1x1x16xf32>
        tpu.vector_store %arg5[%swap3A_400, %swap3A_401, %swap3A_402], %swap3A_405 {add = true, strides = array<i32>} : memref<3x32x768xf32, #tpu.memory_space<vmem>>, vector<1x1x16xf32>,
        %get3A_406 = arith.index_cast %rem3A_177 : i32 to index
        %get3A_407 = arith.index_cast %scan3A_330 : i32 to index
        %get3A_408 = arith.constant 112 : index
        %get3A_409 = tpu.vector_load %arg6[%get3A_406, %get3A_407, %get3A_408] {strides = array<i32>} : memref<2x32x768xf32, #tpu.memory_space<vmem>>, vector<1x1x16xf32>,
        %get3A_410 = vector.shape_cast %get3A_409 : vector<1x1x16xf32> to vector<16xf32>
        %swap3A_411 = arith.index_cast %rem3A_250 : i32 to index
        %swap3A_412 = arith.index_cast %scan3A_330 : i32 to index
        %swap3A_413 = arith.constant 112 : index
        %swap3A_414 = tpu.vector_load %arg5[%swap3A_411, %swap3A_412, %swap3A_413] {strides = array<i32>} : memref<3x32x768xf32, #tpu.memory_space<vmem>>, vector<1x1x16xf32>,
        %swap3A_415 = vector.shape_cast %swap3A_414 : vector<1x1x16xf32> to vector<16xf32>
        %swap3A_416 = vector.shape_cast %get3A_410 : vector<16xf32> to vector<1x1x16xf32>
        tpu.vector_store %arg5[%swap3A_411, %swap3A_412, %swap3A_413], %swap3A_416 {add = true, strides = array<i32>} : memref<3x32x768xf32, #tpu.memory_space<vmem>>, vector<1x1x16xf32>,
        %get3A_417 = arith.index_cast %rem3A_177 : i32 to index
        %get3A_418 = arith.index_cast %scan3A_330 : i32 to index
        %get3A_419 = arith.constant 128 : index
        %get3A_420 = tpu.vector_load %arg6[%get3A_417, %get3A_418, %get3A_419] {strides = array<i32>} : memref<2x32x768xf32, #tpu.memory_space<vmem>>, vector<1x1x16xf32>,
        %get3A_421 = vector.shape_cast %get3A_420 : vector<1x1x16xf32> to vector<16xf32>
        %swap3A_422 = arith.index_cast %rem3A_250 : i32 to index
        %swap3A_423 = arith.index_cast %scan3A_330 : i32 to index
        %swap3A_424 = arith.constant 128 : index
        %swap3A_425 = tpu.vector_load %arg5[%swap3A_422, %swap3A_423, %swap3A_424] {strides = array<i32>} : memref<3x32x768xf32, #tpu.memory_space<vmem>>, vector<1x1x16xf32>,
        %swap3A_426 = vector.shape_cast %swap3A_425 : vector<1x1x16xf32> to vector<16xf32>
        %swap3A_427 = vector.shape_cast %get3A_421 : vector<16xf32> to vector<1x1x16xf32>
        tpu.vector_store %arg5[%swap3A_422, %swap3A_423, %swap3A_424], %swap3A_427 {add = true, strides = array<i32>} : memref<3x32x768xf32, #tpu.memory_space<vmem>>, vector<1x1x16xf32>,
        %get3A_428 = arith.index_cast %rem3A_177 : i32 to index
        %get3A_429 = arith.index_cast %scan3A_330 : i32 to index
        %get3A_430 = arith.constant 144 : index
        %get3A_431 = tpu.vector_load %arg6[%get3A_428, %get3A_429, %get3A_430] {strides = array<i32>} : memref<2x32x768xf32, #tpu.memory_space<vmem>>, vector<1x1x16xf32>,
        %get3A_432 = vector.shape_cast %get3A_431 : vector<1x1x16xf32> to vector<16xf32>
        %swap3A_433 = arith.index_cast %rem3A_250 : i32 to index
        %swap3A_434 = arith.index_cast %scan3A_330 : i32 to index
        %swap3A_435 = arith.constant 144 : index
        %swap3A_436 = tpu.vector_load %arg5[%swap3A_433, %swap3A_434, %swap3A_435] {strides = array<i32>} : memref<3x32x768xf32, #tpu.memory_space<vmem>>, vector<1x1x16xf32>,
        %swap3A_437 = vector.shape_cast %swap3A_436 : vector<1x1x16xf32> to vector<16xf32>
        %swap3A_438 = vector.shape_cast %get3A_432 : vector<16xf32> to vector<1x1x16xf32>
        tpu.vector_store %arg5[%swap3A_433, %swap3A_434, %swap3A_435], %swap3A_438 {add = true, strides = array<i32>} : memref<3x32x768xf32, #tpu.memory_space<vmem>>, vector<1x1x16xf32>,
        %get3A_439 = arith.index_cast %rem3A_177 : i32 to index
        %get3A_440 = arith.index_cast %scan3A_330 : i32 to index
        %get3A_441 = arith.constant 160 : index
        %get3A_442 = tpu.vector_load %arg6[%get3A_439, %get3A_440, %get3A_441] {strides = array<i32>} : memref<2x32x768xf32, #tpu.memory_space<vmem>>, vector<1x1x16xf32>,
        %get3A_443 = vector.shape_cast %get3A_442 : vector<1x1x16xf32> to vector<16xf32>
        %swap3A_444 = arith.index_cast %rem3A_250 : i32 to index
        %swap3A_445 = arith.index_cast %scan3A_330 : i32 to index
        %swap3A_446 = arith.constant 160 : index
        %swap3A_447 = tpu.vector_load %arg5[%swap3A_444, %swap3A_445, %swap3A_446] {strides = array<i32>} : memref<3x32x768xf32, #tpu.memory_space<vmem>>, vector<1x1x16xf32>,
        %swap3A_448 = vector.shape_cast %swap3A_447 : vector<1x1x16xf32> to vector<16xf32>
        %swap3A_449 = vector.shape_cast %get3A_443 : vector<16xf32> to vector<1x1x16xf32>
        tpu.vector_store %arg5[%swap3A_444, %swap3A_445, %swap3A_446], %swap3A_449 {add = true, strides = array<i32>} : memref<3x32x768xf32, #tpu.memory_space<vmem>>, vector<1x1x16xf32>,
        %get3A_450 = arith.index_cast %rem3A_177 : i32 to index
        %get3A_451 = arith.index_cast %scan3A_330 : i32 to index
        %get3A_452 = arith.constant 176 : index
        %get3A_453 = tpu.vector_load %arg6[%get3A_450, %get3A_451, %get3A_452] {strides = array<i32>} : memref<2x32x768xf32, #tpu.memory_space<vmem>>, vector<1x1x16xf32>,
        %get3A_454 = vector.shape_cast %get3A_453 : vector<1x1x16xf32> to vector<16xf32>
        %swap3A_455 = arith.index_cast %rem3A_250 : i32 to index
        %swap3A_456 = arith.index_cast %scan3A_330 : i32 to index
        %swap3A_457 = arith.constant 176 : index
        %swap3A_458 = tpu.vector_load %arg5[%swap3A_455, %swap3A_456, %swap3A_457] {strides = array<i32>} : memref<3x32x768xf32, #tpu.memory_space<vmem>>, vector<1x1x16xf32>,
        %swap3A_459 = vector.shape_cast %swap3A_458 : vector<1x1x16xf32> to vector<16xf32>
        %swap3A_460 = vector.shape_cast %get3A_454 : vector<16xf32> to vector<1x1x16xf32>
        tpu.vector_store %arg5[%swap3A_455, %swap3A_456, %swap3A_457], %swap3A_460 {add = true, strides = array<i32>} : memref<3x32x768xf32, #tpu.memory_space<vmem>>, vector<1x1x16xf32>,
        %get3A_461 = arith.index_cast %rem3A_177 : i32 to index
        %get3A_462 = arith.index_cast %scan3A_330 : i32 to index
        %get3A_463 = arith.constant 192 : index
        %get3A_464 = tpu.vector_load %arg6[%get3A_461, %get3A_462, %get3A_463] {strides = array<i32>} : memref<2x32x768xf32, #tpu.memory_space<vmem>>, vector<1x1x16xf32>,
        %get3A_465 = vector.shape_cast %get3A_464 : vector<1x1x16xf32> to vector<16xf32>
        %swap3A_466 = arith.index_cast %rem3A_250 : i32 to index
        %swap3A_467 = arith.index_cast %scan3A_330 : i32 to index
        %swap3A_468 = arith.constant 192 : index
        %swap3A_469 = tpu.vector_load %arg5[%swap3A_466, %swap3A_467, %swap3A_468] {strides = array<i32>} : memref<3x32x768xf32, #tpu.memory_space<vmem>>, vector<1x1x16xf32>,
        %swap3A_470 = vector.shape_cast %swap3A_469 : vector<1x1x16xf32> to vector<16xf32>
        %swap3A_471 = vector.shape_cast %get3A_465 : vector<16xf32> to vector<1x1x16xf32>
        tpu.vector_store %arg5[%swap3A_466, %swap3A_467, %swap3A_468], %swap3A_471 {add = true, strides = array<i32>} : memref<3x32x768xf32, #tpu.memory_space<vmem>>, vector<1x1x16xf32>,
        %get3A_472 = arith.index_cast %rem3A_177 : i32 to index
        %get3A_473 = arith.index_cast %scan3A_330 : i32 to index
        %get3A_474 = arith.constant 208 : index
        %get3A_475 = tpu.vector_load %arg6[%get3A_472, %get3A_473, %get3A_474] {strides = array<i32>} : memref<2x32x768xf32, #tpu.memory_space<vmem>>, vector<1x1x16xf32>,
        %get3A_476 = vector.shape_cast %get3A_475 : vector<1x1x16xf32> to vector<16xf32>
        %swap3A_477 = arith.index_cast %rem3A_250 : i32 to index
        %swap3A_478 = arith.index_cast %scan3A_330 : i32 to index
        %swap3A_479 = arith.constant 208 : index
        %swap3A_480 = tpu.vector_load %arg5[%swap3A_477, %swap3A_478, %swap3A_479] {strides = array<i32>} : memref<3x32x768xf32, #tpu.memory_space<vmem>>, vector<1x1x16xf32>,
        %swap3A_481 = vector.shape_cast %swap3A_480 : vector<1x1x16xf32> to vector<16xf32>
        %swap3A_482 = vector.shape_cast %get3A_476 : vector<16xf32> to vector<1x1x16xf32>
        tpu.vector_store %arg5[%swap3A_477, %swap3A_478, %swap3A_479], %swap3A_482 {add = true, strides = array<i32>} : memref<3x32x768xf32, #tpu.memory_space<vmem>>, vector<1x1x16xf32>,
        %get3A_483 = arith.index_cast %rem3A_177 : i32 to index
        %get3A_484 = arith.index_cast %scan3A_330 : i32 to index
        %get3A_485 = arith.constant 224 : index
        %get3A_486 = tpu.vector_load %arg6[%get3A_483, %get3A_484, %get3A_485] {strides = array<i32>} : memref<2x32x768xf32, #tpu.memory_space<vmem>>, vector<1x1x16xf32>,
        %get3A_487 = vector.shape_cast %get3A_486 : vector<1x1x16xf32> to vector<16xf32>
        %swap3A_488 = arith.index_cast %rem3A_250 : i32 to index
        %swap3A_489 = arith.index_cast %scan3A_330 : i32 to index
        %swap3A_490 = arith.constant 224 : index
        %swap3A_491 = tpu.vector_load %arg5[%swap3A_488, %swap3A_489, %swap3A_490] {strides = array<i32>} : memref<3x32x768xf32, #tpu.memory_space<vmem>>, vector<1x1x16xf32>,
        %swap3A_492 = vector.shape_cast %swap3A_491 : vector<1x1x16xf32> to vector<16xf32>
        %swap3A_493 = vector.shape_cast %get3A_487 : vector<16xf32> to vector<1x1x16xf32>
        tpu.vector_store %arg5[%swap3A_488, %swap3A_489, %swap3A_490], %swap3A_493 {add = true, strides = array<i32>} : memref<3x32x768xf32, #tpu.memory_space<vmem>>, vector<1x1x16xf32>,
        %get3A_494 = arith.index_cast %rem3A_177 : i32 to index
        %get3A_495 = arith.index_cast %scan3A_330 : i32 to index
        %get3A_496 = arith.constant 240 : index
        %get3A_497 = tpu.vector_load %arg6[%get3A_494, %get3A_495, %get3A_496] {strides = array<i32>} : memref<2x32x768xf32, #tpu.memory_space<vmem>>, vector<1x1x16xf32>,
        %get3A_498 = vector.shape_cast %get3A_497 : vector<1x1x16xf32> to vector<16xf32>
        %swap3A_499 = arith.index_cast %rem3A_250 : i32 to index
        %swap3A_500 = arith.index_cast %scan3A_330 : i32 to index
        %swap3A_501 = arith.constant 240 : index
        %swap3A_502 = tpu.vector_load %arg5[%swap3A_499, %swap3A_500, %swap3A_501] {strides = array<i32>} : memref<3x32x768xf32, #tpu.memory_space<vmem>>, vector<1x1x16xf32>,
        %swap3A_503 = vector.shape_cast %swap3A_502 : vector<1x1x16xf32> to vector<16xf32>
        %swap3A_504 = vector.shape_cast %get3A_498 : vector<16xf32> to vector<1x1x16xf32>
        tpu.vector_store %arg5[%swap3A_499, %swap3A_500, %swap3A_501], %swap3A_504 {add = true, strides = array<i32>} : memref<3x32x768xf32, #tpu.memory_space<vmem>>, vector<1x1x16xf32>,
        %get3A_505 = arith.index_cast %rem3A_177 : i32 to index
        %get3A_506 = arith.index_cast %scan3A_330 : i32 to index
        %get3A_507 = arith.constant 256 : index
        %get3A_508 = tpu.vector_load %arg6[%get3A_505, %get3A_506, %get3A_507] {strides = array<i32>} : memref<2x32x768xf32, #tpu.memory_space<vmem>>, vector<1x1x16xf32>,
        %get3A_509 = vector.shape_cast %get3A_508 : vector<1x1x16xf32> to vector<16xf32>
        %swap3A_510 = arith.index_cast %rem3A_250 : i32 to index
        %swap3A_511 = arith.index_cast %scan3A_330 : i32 to index
        %swap3A_512 = arith.constant 256 : index
        %swap3A_513 = tpu.vector_load %arg5[%swap3A_510, %swap3A_511, %swap3A_512] {strides = array<i32>} : memref<3x32x768xf32, #tpu.memory_space<vmem>>, vector<1x1x16xf32>,
        %swap3A_514 = vector.shape_cast %swap3A_513 : vector<1x1x16xf32> to vector<16xf32>
        %swap3A_515 = vector.shape_cast %get3A_509 : vector<16xf32> to vector<1x1x16xf32>
        tpu.vector_store %arg5[%swap3A_510, %swap3A_511, %swap3A_512], %swap3A_515 {add = true, strides = array<i32>} : memref<3x32x768xf32, #tpu.memory_space<vmem>>, vector<1x1x16xf32>,
        %get3A_516 = arith.index_cast %rem3A_177 : i32 to index
        %get3A_517 = arith.index_cast %scan3A_330 : i32 to index
        %get3A_518 = arith.constant 272 : index
        %get3A_519 = tpu.vector_load %arg6[%get3A_516, %get3A_517, %get3A_518] {strides = array<i32>} : memref<2x32x768xf32, #tpu.memory_space<vmem>>, vector<1x1x16xf32>,
        %get3A_520 = vector.shape_cast %get3A_519 : vector<1x1x16xf32> to vector<16xf32>
        %swap3A_521 = arith.index_cast %rem3A_250 : i32 to index
        %swap3A_522 = arith.index_cast %scan3A_330 : i32 to index
        %swap3A_523 = arith.constant 272 : index
        %swap3A_524 = tpu.vector_load %arg5[%swap3A_521, %swap3A_522, %swap3A_523] {strides = array<i32>} : memref<3x32x768xf32, #tpu.memory_space<vmem>>, vector<1x1x16xf32>,
        %swap3A_525 = vector.shape_cast %swap3A_524 : vector<1x1x16xf32> to vector<16xf32>
        %swap3A_526 = vector.shape_cast %get3A_520 : vector<16xf32> to vector<1x1x16xf32>
        tpu.vector_store %arg5[%swap3A_521, %swap3A_522, %swap3A_523], %swap3A_526 {add = true, strides = array<i32>} : memref<3x32x768xf32, #tpu.memory_space<vmem>>, vector<1x1x16xf32>,
        %get3A_527 = arith.index_cast %rem3A_177 : i32 to index
        %get3A_528 = arith.index_cast %scan3A_330 : i32 to index
        %get3A_529 = arith.constant 288 : index
        %get3A_530 = tpu.vector_load %arg6[%get3A_527, %get3A_528, %get3A_529] {strides = array<i32>} : memref<2x32x768xf32, #tpu.memory_space<vmem>>, vector<1x1x16xf32>,
        %get3A_531 = vector.shape_cast %get3A_530 : vector<1x1x16xf32> to vector<16xf32>
        %swap3A_532 = arith.index_cast %rem3A_250 : i32 to index
        %swap3A_533 = arith.index_cast %scan3A_330 : i32 to index
        %swap3A_534 = arith.constant 288 : index
        %swap3A_535 = tpu.vector_load %arg5[%swap3A_532, %swap3A_533, %swap3A_534] {strides = array<i32>} : memref<3x32x768xf32, #tpu.memory_space<vmem>>, vector<1x1x16xf32>,
        %swap3A_536 = vector.shape_cast %swap3A_535 : vector<1x1x16xf32> to vector<16xf32>
        %swap3A_537 = vector.shape_cast %get3A_531 : vector<16xf32> to vector<1x1x16xf32>
        tpu.vector_store %arg5[%swap3A_532, %swap3A_533, %swap3A_534], %swap3A_537 {add = true, strides = array<i32>} : memref<3x32x768xf32, #tpu.memory_space<vmem>>, vector<1x1x16xf32>,
        %get3A_538 = arith.index_cast %rem3A_177 : i32 to index
        %get3A_539 = arith.index_cast %scan3A_330 : i32 to index
        %get3A_540 = arith.constant 304 : index
        %get3A_541 = tpu.vector_load %arg6[%get3A_538, %get3A_539, %get3A_540] {strides = array<i32>} : memref<2x32x768xf32, #tpu.memory_space<vmem>>, vector<1x1x16xf32>,
        %get3A_542 = vector.shape_cast %get3A_541 : vector<1x1x16xf32> to vector<16xf32>
        %swap3A_543 = arith.index_cast %rem3A_250 : i32 to index
        %swap3A_544 = arith.index_cast %scan3A_330 : i32 to index
        %swap3A_545 = arith.constant 304 : index
        %swap3A_546 = tpu.vector_load %arg5[%swap3A_543, %swap3A_544, %swap3A_545] {strides = array<i32>} : memref<3x32x768xf32, #tpu.memory_space<vmem>>, vector<1x1x16xf32>,
        %swap3A_547 = vector.shape_cast %swap3A_546 : vector<1x1x16xf32> to vector<16xf32>
        %swap3A_548 = vector.shape_cast %get3A_542 : vector<16xf32> to vector<1x1x16xf32>
        tpu.vector_store %arg5[%swap3A_543, %swap3A_544, %swap3A_545], %swap3A_548 {add = true, strides = array<i32>} : memref<3x32x768xf32, #tpu.memory_space<vmem>>, vector<1x1x16xf32>,
        %get3A_549 = arith.index_cast %rem3A_177 : i32 to index
        %get3A_550 = arith.index_cast %scan3A_330 : i32 to index
        %get3A_551 = arith.constant 320 : index
        %get3A_552 = tpu.vector_load %arg6[%get3A_549, %get3A_550, %get3A_551] {strides = array<i32>} : memref<2x32x768xf32, #tpu.memory_space<vmem>>, vector<1x1x16xf32>,
        %get3A_553 = vector.shape_cast %get3A_552 : vector<1x1x16xf32> to vector<16xf32>
        %swap3A_554 = arith.index_cast %rem3A_250 : i32 to index
        %swap3A_555 = arith.index_cast %scan3A_330 : i32 to index
        %swap3A_556 = arith.constant 320 : index
        %swap3A_557 = tpu.vector_load %arg5[%swap3A_554, %swap3A_555, %swap3A_556] {strides = array<i32>} : memref<3x32x768xf32, #tpu.memory_space<vmem>>, vector<1x1x16xf32>,
        %swap3A_558 = vector.shape_cast %swap3A_557 : vector<1x1x16xf32> to vector<16xf32>
        %swap3A_559 = vector.shape_cast %get3A_553 : vector<16xf32> to vector<1x1x16xf32>
        tpu.vector_store %arg5[%swap3A_554, %swap3A_555, %swap3A_556], %swap3A_559 {add = true, strides = array<i32>} : memref<3x32x768xf32, #tpu.memory_space<vmem>>, vector<1x1x16xf32>,
        %get3A_560 = arith.index_cast %rem3A_177 : i32 to index
        %get3A_561 = arith.index_cast %scan3A_330 : i32 to index
        %get3A_562 = arith.constant 336 : index
        %get3A_563 = tpu.vector_load %arg6[%get3A_560, %get3A_561, %get3A_562] {strides = array<i32>} : memref<2x32x768xf32, #tpu.memory_space<vmem>>, vector<1x1x16xf32>,
        %get3A_564 = vector.shape_cast %get3A_563 : vector<1x1x16xf32> to vector<16xf32>
        %swap3A_565 = arith.index_cast %rem3A_250 : i32 to index
        %swap3A_566 = arith.index_cast %scan3A_330 : i32 to index
        %swap3A_567 = arith.constant 336 : index
        %swap3A_568 = tpu.vector_load %arg5[%swap3A_565, %swap3A_566, %swap3A_567] {strides = array<i32>} : memref<3x32x768xf32, #tpu.memory_space<vmem>>, vector<1x1x16xf32>,
        %swap3A_569 = vector.shape_cast %swap3A_568 : vector<1x1x16xf32> to vector<16xf32>
        %swap3A_570 = vector.shape_cast %get3A_564 : vector<16xf32> to vector<1x1x16xf32>
        tpu.vector_store %arg5[%swap3A_565, %swap3A_566, %swap3A_567], %swap3A_570 {add = true, strides = array<i32>} : memref<3x32x768xf32, #tpu.memory_space<vmem>>, vector<1x1x16xf32>,
        %get3A_571 = arith.index_cast %rem3A_177 : i32 to index
        %get3A_572 = arith.index_cast %scan3A_330 : i32 to index
        %get3A_573 = arith.constant 352 : index
        %get3A_574 = tpu.vector_load %arg6[%get3A_571, %get3A_572, %get3A_573] {strides = array<i32>} : memref<2x32x768xf32, #tpu.memory_space<vmem>>, vector<1x1x16xf32>,
        %get3A_575 = vector.shape_cast %get3A_574 : vector<1x1x16xf32> to vector<16xf32>
        %swap3A_576 = arith.index_cast %rem3A_250 : i32 to index
        %swap3A_577 = arith.index_cast %scan3A_330 : i32 to index
        %swap3A_578 = arith.constant 352 : index
        %swap3A_579 = tpu.vector_load %arg5[%swap3A_576, %swap3A_577, %swap3A_578] {strides = array<i32>} : memref<3x32x768xf32, #tpu.memory_space<vmem>>, vector<1x1x16xf32>,
        %swap3A_580 = vector.shape_cast %swap3A_579 : vector<1x1x16xf32> to vector<16xf32>
        %swap3A_581 = vector.shape_cast %get3A_575 : vector<16xf32> to vector<1x1x16xf32>
        tpu.vector_store %arg5[%swap3A_576, %swap3A_577, %swap3A_578], %swap3A_581 {add = true, strides = array<i32>} : memref<3x32x768xf32, #tpu.memory_space<vmem>>, vector<1x1x16xf32>,
        %get3A_582 = arith.index_cast %rem3A_177 : i32 to index
        %get3A_583 = arith.index_cast %scan3A_330 : i32 to index
        %get3A_584 = arith.constant 368 : index
        %get3A_585 = tpu.vector_load %arg6[%get3A_582, %get3A_583, %get3A_584] {strides = array<i32>} : memref<2x32x768xf32, #tpu.memory_space<vmem>>, vector<1x1x16xf32>,
        %get3A_586 = vector.shape_cast %get3A_585 : vector<1x1x16xf32> to vector<16xf32>
        %swap3A_587 = arith.index_cast %rem3A_250 : i32 to index
        %swap3A_588 = arith.index_cast %scan3A_330 : i32 to index
        %swap3A_589 = arith.constant 368 : index
        %swap3A_590 = tpu.vector_load %arg5[%swap3A_587, %swap3A_588, %swap3A_589] {strides = array<i32>} : memref<3x32x768xf32, #tpu.memory_space<vmem>>, vector<1x1x16xf32>,
        %swap3A_591 = vector.shape_cast %swap3A_590 : vector<1x1x16xf32> to vector<16xf32>
        %swap3A_592 = vector.shape_cast %get3A_586 : vector<16xf32> to vector<1x1x16xf32>
        tpu.vector_store %arg5[%swap3A_587, %swap3A_588, %swap3A_589], %swap3A_592 {add = true, strides = array<i32>} : memref<3x32x768xf32, #tpu.memory_space<vmem>>, vector<1x1x16xf32>,
        %get3A_593 = arith.index_cast %rem3A_177 : i32 to index
        %get3A_594 = arith.index_cast %scan3A_330 : i32 to index
        %get3A_595 = arith.constant 384 : index
        %get3A_596 = tpu.vector_load %arg6[%get3A_593, %get3A_594, %get3A_595] {strides = array<i32>} : memref<2x32x768xf32, #tpu.memory_space<vmem>>, vector<1x1x16xf32>,
        %get3A_597 = vector.shape_cast %get3A_596 : vector<1x1x16xf32> to vector<16xf32>
        %swap3A_598 = arith.index_cast %rem3A_250 : i32 to index
        %swap3A_599 = arith.index_cast %scan3A_330 : i32 to index
        %swap3A_600 = arith.constant 384 : index
        %swap3A_601 = tpu.vector_load %arg5[%swap3A_598, %swap3A_599, %swap3A_600] {strides = array<i32>} : memref<3x32x768xf32, #tpu.memory_space<vmem>>, vector<1x1x16xf32>,
        %swap3A_602 = vector.shape_cast %swap3A_601 : vector<1x1x16xf32> to vector<16xf32>
        %swap3A_603 = vector.shape_cast %get3A_597 : vector<16xf32> to vector<1x1x16xf32>
        tpu.vector_store %arg5[%swap3A_598, %swap3A_599, %swap3A_600], %swap3A_603 {add = true, strides = array<i32>} : memref<3x32x768xf32, #tpu.memory_space<vmem>>, vector<1x1x16xf32>,
        %get3A_604 = arith.index_cast %rem3A_177 : i32 to index
        %get3A_605 = arith.index_cast %scan3A_330 : i32 to index
        %get3A_606 = arith.constant 400 : index
        %get3A_607 = tpu.vector_load %arg6[%get3A_604, %get3A_605, %get3A_606] {strides = array<i32>} : memref<2x32x768xf32, #tpu.memory_space<vmem>>, vector<1x1x16xf32>,
        %get3A_608 = vector.shape_cast %get3A_607 : vector<1x1x16xf32> to vector<16xf32>
        %swap3A_609 = arith.index_cast %rem3A_250 : i32 to index
        %swap3A_610 = arith.index_cast %scan3A_330 : i32 to index
        %swap3A_611 = arith.constant 400 : index
        %swap3A_612 = tpu.vector_load %arg5[%swap3A_609, %swap3A_610, %swap3A_611] {strides = array<i32>} : memref<3x32x768xf32, #tpu.memory_space<vmem>>, vector<1x1x16xf32>,
        %swap3A_613 = vector.shape_cast %swap3A_612 : vector<1x1x16xf32> to vector<16xf32>
        %swap3A_614 = vector.shape_cast %get3A_608 : vector<16xf32> to vector<1x1x16xf32>
        tpu.vector_store %arg5[%swap3A_609, %swap3A_610, %swap3A_611], %swap3A_614 {add = true, strides = array<i32>} : memref<3x32x768xf32, #tpu.memory_space<vmem>>, vector<1x1x16xf32>,
        %get3A_615 = arith.index_cast %rem3A_177 : i32 to index
        %get3A_616 = arith.index_cast %scan3A_330 : i32 to index
        %get3A_617 = arith.constant 416 : index
        %get3A_618 = tpu.vector_load %arg6[%get3A_615, %get3A_616, %get3A_617] {strides = array<i32>} : memref<2x32x768xf32, #tpu.memory_space<vmem>>, vector<1x1x16xf32>,
        %get3A_619 = vector.shape_cast %get3A_618 : vector<1x1x16xf32> to vector<16xf32>
        %swap3A_620 = arith.index_cast %rem3A_250 : i32 to index
        %swap3A_621 = arith.index_cast %scan3A_330 : i32 to index
        %swap3A_622 = arith.constant 416 : index
        %swap3A_623 = tpu.vector_load %arg5[%swap3A_620, %swap3A_621, %swap3A_622] {strides = array<i32>} : memref<3x32x768xf32, #tpu.memory_space<vmem>>, vector<1x1x16xf32>,
        %swap3A_624 = vector.shape_cast %swap3A_623 : vector<1x1x16xf32> to vector<16xf32>
        %swap3A_625 = vector.shape_cast %get3A_619 : vector<16xf32> to vector<1x1x16xf32>
        tpu.vector_store %arg5[%swap3A_620, %swap3A_621, %swap3A_622], %swap3A_625 {add = true, strides = array<i32>} : memref<3x32x768xf32, #tpu.memory_space<vmem>>, vector<1x1x16xf32>,
        %get3A_626 = arith.index_cast %rem3A_177 : i32 to index
        %get3A_627 = arith.index_cast %scan3A_330 : i32 to index
        %get3A_628 = arith.constant 432 : index
        %get3A_629 = tpu.vector_load %arg6[%get3A_626, %get3A_627, %get3A_628] {strides = array<i32>} : memref<2x32x768xf32, #tpu.memory_space<vmem>>, vector<1x1x16xf32>,
        %get3A_630 = vector.shape_cast %get3A_629 : vector<1x1x16xf32> to vector<16xf32>
        %swap3A_631 = arith.index_cast %rem3A_250 : i32 to index
        %swap3A_632 = arith.index_cast %scan3A_330 : i32 to index
        %swap3A_633 = arith.constant 432 : index
        %swap3A_634 = tpu.vector_load %arg5[%swap3A_631, %swap3A_632, %swap3A_633] {strides = array<i32>} : memref<3x32x768xf32, #tpu.memory_space<vmem>>, vector<1x1x16xf32>,
        %swap3A_635 = vector.shape_cast %swap3A_634 : vector<1x1x16xf32> to vector<16xf32>
        %swap3A_636 = vector.shape_cast %get3A_630 : vector<16xf32> to vector<1x1x16xf32>
        tpu.vector_store %arg5[%swap3A_631, %swap3A_632, %swap3A_633], %swap3A_636 {add = true, strides = array<i32>} : memref<3x32x768xf32, #tpu.memory_space<vmem>>, vector<1x1x16xf32>,
        %get3A_637 = arith.index_cast %rem3A_177 : i32 to index
        %get3A_638 = arith.index_cast %scan3A_330 : i32 to index
        %get3A_639 = arith.constant 448 : index
        %get3A_640 = tpu.vector_load %arg6[%get3A_637, %get3A_638, %get3A_639] {strides = array<i32>} : memref<2x32x768xf32, #tpu.memory_space<vmem>>, vector<1x1x16xf32>,
        %get3A_641 = vector.shape_cast %get3A_640 : vector<1x1x16xf32> to vector<16xf32>
        %swap3A_642 = arith.index_cast %rem3A_250 : i32 to index
        %swap3A_643 = arith.index_cast %scan3A_330 : i32 to index
        %swap3A_644 = arith.constant 448 : index
        %swap3A_645 = tpu.vector_load %arg5[%swap3A_642, %swap3A_643, %swap3A_644] {strides = array<i32>} : memref<3x32x768xf32, #tpu.memory_space<vmem>>, vector<1x1x16xf32>,
        %swap3A_646 = vector.shape_cast %swap3A_645 : vector<1x1x16xf32> to vector<16xf32>
        %swap3A_647 = vector.shape_cast %get3A_641 : vector<16xf32> to vector<1x1x16xf32>
        tpu.vector_store %arg5[%swap3A_642, %swap3A_643, %swap3A_644], %swap3A_647 {add = true, strides = array<i32>} : memref<3x32x768xf32, #tpu.memory_space<vmem>>, vector<1x1x16xf32>,
        %get3A_648 = arith.index_cast %rem3A_177 : i32 to index
        %get3A_649 = arith.index_cast %scan3A_330 : i32 to index
        %get3A_650 = arith.constant 464 : index
        %get3A_651 = tpu.vector_load %arg6[%get3A_648, %get3A_649, %get3A_650] {strides = array<i32>} : memref<2x32x768xf32, #tpu.memory_space<vmem>>, vector<1x1x16xf32>,
        %get3A_652 = vector.shape_cast %get3A_651 : vector<1x1x16xf32> to vector<16xf32>
        %swap3A_653 = arith.index_cast %rem3A_250 : i32 to index
        %swap3A_654 = arith.index_cast %scan3A_330 : i32 to index
        %swap3A_655 = arith.constant 464 : index
        %swap3A_656 = tpu.vector_load %arg5[%swap3A_653, %swap3A_654, %swap3A_655] {strides = array<i32>} : memref<3x32x768xf32, #tpu.memory_space<vmem>>, vector<1x1x16xf32>,
        %swap3A_657 = vector.shape_cast %swap3A_656 : vector<1x1x16xf32> to vector<16xf32>
        %swap3A_658 = vector.shape_cast %get3A_652 : vector<16xf32> to vector<1x1x16xf32>
        tpu.vector_store %arg5[%swap3A_653, %swap3A_654, %swap3A_655], %swap3A_658 {add = true, strides = array<i32>} : memref<3x32x768xf32, #tpu.memory_space<vmem>>, vector<1x1x16xf32>,
        %get3A_659 = arith.index_cast %rem3A_177 : i32 to index
        %get3A_660 = arith.index_cast %scan3A_330 : i32 to index
        %get3A_661 = arith.constant 480 : index
        %get3A_662 = tpu.vector_load %arg6[%get3A_659, %get3A_660, %get3A_661] {strides = array<i32>} : memref<2x32x768xf32, #tpu.memory_space<vmem>>, vector<1x1x16xf32>,
        %get3A_663 = vector.shape_cast %get3A_662 : vector<1x1x16xf32> to vector<16xf32>
        %swap3A_664 = arith.index_cast %rem3A_250 : i32 to index
        %swap3A_665 = arith.index_cast %scan3A_330 : i32 to index
        %swap3A_666 = arith.constant 480 : index
        %swap3A_667 = tpu.vector_load %arg5[%swap3A_664, %swap3A_665, %swap3A_666] {strides = array<i32>} : memref<3x32x768xf32, #tpu.memory_space<vmem>>, vector<1x1x16xf32>,
        %swap3A_668 = vector.shape_cast %swap3A_667 : vector<1x1x16xf32> to vector<16xf32>
        %swap3A_669 = vector.shape_cast %get3A_663 : vector<16xf32> to vector<1x1x16xf32>
        tpu.vector_store %arg5[%swap3A_664, %swap3A_665, %swap3A_666], %swap3A_669 {add = true, strides = array<i32>} : memref<3x32x768xf32, #tpu.memory_space<vmem>>, vector<1x1x16xf32>,
        %get3A_670 = arith.index_cast %rem3A_177 : i32 to index
        %get3A_671 = arith.index_cast %scan3A_330 : i32 to index
        %get3A_672 = arith.constant 496 : index
        %get3A_673 = tpu.vector_load %arg6[%get3A_670, %get3A_671, %get3A_672] {strides = array<i32>} : memref<2x32x768xf32, #tpu.memory_space<vmem>>, vector<1x1x16xf32>,
        %get3A_674 = vector.shape_cast %get3A_673 : vector<1x1x16xf32> to vector<16xf32>
        %swap3A_675 = arith.index_cast %rem3A_250 : i32 to index
        %swap3A_676 = arith.index_cast %scan3A_330 : i32 to index
        %swap3A_677 = arith.constant 496 : index
        %swap3A_678 = tpu.vector_load %arg5[%swap3A_675, %swap3A_676, %swap3A_677] {strides = array<i32>} : memref<3x32x768xf32, #tpu.memory_space<vmem>>, vector<1x1x16xf32>,
        %swap3A_679 = vector.shape_cast %swap3A_678 : vector<1x1x16xf32> to vector<16xf32>
        %swap3A_680 = vector.shape_cast %get3A_674 : vector<16xf32> to vector<1x1x16xf32>
        tpu.vector_store %arg5[%swap3A_675, %swap3A_676, %swap3A_677], %swap3A_680 {add = true, strides = array<i32>} : memref<3x32x768xf32, #tpu.memory_space<vmem>>, vector<1x1x16xf32>,
        %get3A_681 = arith.index_cast %rem3A_177 : i32 to index
        %get3A_682 = arith.index_cast %scan3A_330 : i32 to index
        %get3A_683 = arith.constant 512 : index
        %get3A_684 = tpu.vector_load %arg6[%get3A_681, %get3A_682, %get3A_683] {strides = array<i32>} : memref<2x32x768xf32, #tpu.memory_space<vmem>>, vector<1x1x16xf32>,
        %get3A_685 = vector.shape_cast %get3A_684 : vector<1x1x16xf32> to vector<16xf32>
        %swap3A_686 = arith.index_cast %rem3A_250 : i32 to index
        %swap3A_687 = arith.index_cast %scan3A_330 : i32 to index
        %swap3A_688 = arith.constant 512 : index
        %swap3A_689 = tpu.vector_load %arg5[%swap3A_686, %swap3A_687, %swap3A_688] {strides = array<i32>} : memref<3x32x768xf32, #tpu.memory_space<vmem>>, vector<1x1x16xf32>,
        %swap3A_690 = vector.shape_cast %swap3A_689 : vector<1x1x16xf32> to vector<16xf32>
        %swap3A_691 = vector.shape_cast %get3A_685 : vector<16xf32> to vector<1x1x16xf32>
        tpu.vector_store %arg5[%swap3A_686, %swap3A_687, %swap3A_688], %swap3A_691 {add = true, strides = array<i32>} : memref<3x32x768xf32, #tpu.memory_space<vmem>>, vector<1x1x16xf32>,
        %get3A_692 = arith.index_cast %rem3A_177 : i32 to index
        %get3A_693 = arith.index_cast %scan3A_330 : i32 to index
        %get3A_694 = arith.constant 528 : index
        %get3A_695 = tpu.vector_load %arg6[%get3A_692, %get3A_693, %get3A_694] {strides = array<i32>} : memref<2x32x768xf32, #tpu.memory_space<vmem>>, vector<1x1x16xf32>,
        %get3A_696 = vector.shape_cast %get3A_695 : vector<1x1x16xf32> to vector<16xf32>
        %swap3A_697 = arith.index_cast %rem3A_250 : i32 to index
        %swap3A_698 = arith.index_cast %scan3A_330 : i32 to index
        %swap3A_699 = arith.constant 528 : index
        %swap3A_700 = tpu.vector_load %arg5[%swap3A_697, %swap3A_698, %swap3A_699] {strides = array<i32>} : memref<3x32x768xf32, #tpu.memory_space<vmem>>, vector<1x1x16xf32>,
        %swap3A_701 = vector.shape_cast %swap3A_700 : vector<1x1x16xf32> to vector<16xf32>
        %swap3A_702 = vector.shape_cast %get3A_696 : vector<16xf32> to vector<1x1x16xf32>
        tpu.vector_store %arg5[%swap3A_697, %swap3A_698, %swap3A_699], %swap3A_702 {add = true, strides = array<i32>} : memref<3x32x768xf32, #tpu.memory_space<vmem>>, vector<1x1x16xf32>,
        %get3A_703 = arith.index_cast %rem3A_177 : i32 to index
        %get3A_704 = arith.index_cast %scan3A_330 : i32 to index
        %get3A_705 = arith.constant 544 : index
        %get3A_706 = tpu.vector_load %arg6[%get3A_703, %get3A_704, %get3A_705] {strides = array<i32>} : memref<2x32x768xf32, #tpu.memory_space<vmem>>, vector<1x1x16xf32>,
        %get3A_707 = vector.shape_cast %get3A_706 : vector<1x1x16xf32> to vector<16xf32>
        %swap3A_708 = arith.index_cast %rem3A_250 : i32 to index
        %swap3A_709 = arith.index_cast %scan3A_330 : i32 to index
        %swap3A_710 = arith.constant 544 : index
        %swap3A_711 = tpu.vector_load %arg5[%swap3A_708, %swap3A_709, %swap3A_710] {strides = array<i32>} : memref<3x32x768xf32, #tpu.memory_space<vmem>>, vector<1x1x16xf32>,
        %swap3A_712 = vector.shape_cast %swap3A_711 : vector<1x1x16xf32> to vector<16xf32>
        %swap3A_713 = vector.shape_cast %get3A_707 : vector<16xf32> to vector<1x1x16xf32>
        tpu.vector_store %arg5[%swap3A_708, %swap3A_709, %swap3A_710], %swap3A_713 {add = true, strides = array<i32>} : memref<3x32x768xf32, #tpu.memory_space<vmem>>, vector<1x1x16xf32>,
        %get3A_714 = arith.index_cast %rem3A_177 : i32 to index
        %get3A_715 = arith.index_cast %scan3A_330 : i32 to index
        %get3A_716 = arith.constant 560 : index
        %get3A_717 = tpu.vector_load %arg6[%get3A_714, %get3A_715, %get3A_716] {strides = array<i32>} : memref<2x32x768xf32, #tpu.memory_space<vmem>>, vector<1x1x16xf32>,
        %get3A_718 = vector.shape_cast %get3A_717 : vector<1x1x16xf32> to vector<16xf32>
        %swap3A_719 = arith.index_cast %rem3A_250 : i32 to index
        %swap3A_720 = arith.index_cast %scan3A_330 : i32 to index
        %swap3A_721 = arith.constant 560 : index
        %swap3A_722 = tpu.vector_load %arg5[%swap3A_719, %swap3A_720, %swap3A_721] {strides = array<i32>} : memref<3x32x768xf32, #tpu.memory_space<vmem>>, vector<1x1x16xf32>,
        %swap3A_723 = vector.shape_cast %swap3A_722 : vector<1x1x16xf32> to vector<16xf32>
        %swap3A_724 = vector.shape_cast %get3A_718 : vector<16xf32> to vector<1x1x16xf32>
        tpu.vector_store %arg5[%swap3A_719, %swap3A_720, %swap3A_721], %swap3A_724 {add = true, strides = array<i32>} : memref<3x32x768xf32, #tpu.memory_space<vmem>>, vector<1x1x16xf32>,
        %get3A_725 = arith.index_cast %rem3A_177 : i32 to index
        %get3A_726 = arith.index_cast %scan3A_330 : i32 to index
        %get3A_727 = arith.constant 576 : index
        %get3A_728 = tpu.vector_load %arg6[%get3A_725, %get3A_726, %get3A_727] {strides = array<i32>} : memref<2x32x768xf32, #tpu.memory_space<vmem>>, vector<1x1x16xf32>,
        %get3A_729 = vector.shape_cast %get3A_728 : vector<1x1x16xf32> to vector<16xf32>
        %swap3A_730 = arith.index_cast %rem3A_250 : i32 to index
        %swap3A_731 = arith.index_cast %scan3A_330 : i32 to index
        %swap3A_732 = arith.constant 576 : index
        %swap3A_733 = tpu.vector_load %arg5[%swap3A_730, %swap3A_731, %swap3A_732] {strides = array<i32>} : memref<3x32x768xf32, #tpu.memory_space<vmem>>, vector<1x1x16xf32>,
        %swap3A_734 = vector.shape_cast %swap3A_733 : vector<1x1x16xf32> to vector<16xf32>
        %swap3A_735 = vector.shape_cast %get3A_729 : vector<16xf32> to vector<1x1x16xf32>
        tpu.vector_store %arg5[%swap3A_730, %swap3A_731, %swap3A_732], %swap3A_735 {add = true, strides = array<i32>} : memref<3x32x768xf32, #tpu.memory_space<vmem>>, vector<1x1x16xf32>,
        %get3A_736 = arith.index_cast %rem3A_177 : i32 to index
        %get3A_737 = arith.index_cast %scan3A_330 : i32 to index
        %get3A_738 = arith.constant 592 : index
        %get3A_739 = tpu.vector_load %arg6[%get3A_736, %get3A_737, %get3A_738] {strides = array<i32>} : memref<2x32x768xf32, #tpu.memory_space<vmem>>, vector<1x1x16xf32>,
        %get3A_740 = vector.shape_cast %get3A_739 : vector<1x1x16xf32> to vector<16xf32>
        %swap3A_741 = arith.index_cast %rem3A_250 : i32 to index
        %swap3A_742 = arith.index_cast %scan3A_330 : i32 to index
        %swap3A_743 = arith.constant 592 : index
        %swap3A_744 = tpu.vector_load %arg5[%swap3A_741, %swap3A_742, %swap3A_743] {strides = array<i32>} : memref<3x32x768xf32, #tpu.memory_space<vmem>>, vector<1x1x16xf32>,
        %swap3A_745 = vector.shape_cast %swap3A_744 : vector<1x1x16xf32> to vector<16xf32>
        %swap3A_746 = vector.shape_cast %get3A_740 : vector<16xf32> to vector<1x1x16xf32>
        tpu.vector_store %arg5[%swap3A_741, %swap3A_742, %swap3A_743], %swap3A_746 {add = true, strides = array<i32>} : memref<3x32x768xf32, #tpu.memory_space<vmem>>, vector<1x1x16xf32>,
        %get3A_747 = arith.index_cast %rem3A_177 : i32 to index
        %get3A_748 = arith.index_cast %scan3A_330 : i32 to index
        %get3A_749 = arith.constant 608 : index
        %get3A_750 = tpu.vector_load %arg6[%get3A_747, %get3A_748, %get3A_749] {strides = array<i32>} : memref<2x32x768xf32, #tpu.memory_space<vmem>>, vector<1x1x16xf32>,
        %get3A_751 = vector.shape_cast %get3A_750 : vector<1x1x16xf32> to vector<16xf32>
        %swap3A_752 = arith.index_cast %rem3A_250 : i32 to index
        %swap3A_753 = arith.index_cast %scan3A_330 : i32 to index
        %swap3A_754 = arith.constant 608 : index
        %swap3A_755 = tpu.vector_load %arg5[%swap3A_752, %swap3A_753, %swap3A_754] {strides = array<i32>} : memref<3x32x768xf32, #tpu.memory_space<vmem>>, vector<1x1x16xf32>,
        %swap3A_756 = vector.shape_cast %swap3A_755 : vector<1x1x16xf32> to vector<16xf32>
        %swap3A_757 = vector.shape_cast %get3A_751 : vector<16xf32> to vector<1x1x16xf32>
        tpu.vector_store %arg5[%swap3A_752, %swap3A_753, %swap3A_754], %swap3A_757 {add = true, strides = array<i32>} : memref<3x32x768xf32, #tpu.memory_space<vmem>>, vector<1x1x16xf32>,
        %get3A_758 = arith.index_cast %rem3A_177 : i32 to index
        %get3A_759 = arith.index_cast %scan3A_330 : i32 to index
        %get3A_760 = arith.constant 624 : index
        %get3A_761 = tpu.vector_load %arg6[%get3A_758, %get3A_759, %get3A_760] {strides = array<i32>} : memref<2x32x768xf32, #tpu.memory_space<vmem>>, vector<1x1x16xf32>,
        %get3A_762 = vector.shape_cast %get3A_761 : vector<1x1x16xf32> to vector<16xf32>
        %swap3A_763 = arith.index_cast %rem3A_250 : i32 to index
        %swap3A_764 = arith.index_cast %scan3A_330 : i32 to index
        %swap3A_765 = arith.constant 624 : index
        %swap3A_766 = tpu.vector_load %arg5[%swap3A_763, %swap3A_764, %swap3A_765] {strides = array<i32>} : memref<3x32x768xf32, #tpu.memory_space<vmem>>, vector<1x1x16xf32>,
        %swap3A_767 = vector.shape_cast %swap3A_766 : vector<1x1x16xf32> to vector<16xf32>
        %swap3A_768 = vector.shape_cast %get3A_762 : vector<16xf32> to vector<1x1x16xf32>
        tpu.vector_store %arg5[%swap3A_763, %swap3A_764, %swap3A_765], %swap3A_768 {add = true, strides = array<i32>} : memref<3x32x768xf32, #tpu.memory_space<vmem>>, vector<1x1x16xf32>,
        %get3A_769 = arith.index_cast %rem3A_177 : i32 to index
        %get3A_770 = arith.index_cast %scan3A_330 : i32 to index
        %get3A_771 = arith.constant 640 : index
        %get3A_772 = tpu.vector_load %arg6[%get3A_769, %get3A_770, %get3A_771] {strides = array<i32>} : memref<2x32x768xf32, #tpu.memory_space<vmem>>, vector<1x1x16xf32>,
        %get3A_773 = vector.shape_cast %get3A_772 : vector<1x1x16xf32> to vector<16xf32>
        %swap3A_774 = arith.index_cast %rem3A_250 : i32 to index
        %swap3A_775 = arith.index_cast %scan3A_330 : i32 to index
        %swap3A_776 = arith.constant 640 : index
        %swap3A_777 = tpu.vector_load %arg5[%swap3A_774, %swap3A_775, %swap3A_776] {strides = array<i32>} : memref<3x32x768xf32, #tpu.memory_space<vmem>>, vector<1x1x16xf32>,
        %swap3A_778 = vector.shape_cast %swap3A_777 : vector<1x1x16xf32> to vector<16xf32>
        %swap3A_779 = vector.shape_cast %get3A_773 : vector<16xf32> to vector<1x1x16xf32>
        tpu.vector_store %arg5[%swap3A_774, %swap3A_775, %swap3A_776], %swap3A_779 {add = true, strides = array<i32>} : memref<3x32x768xf32, #tpu.memory_space<vmem>>, vector<1x1x16xf32>,
        %get3A_780 = arith.index_cast %rem3A_177 : i32 to index
        %get3A_781 = arith.index_cast %scan3A_330 : i32 to index
        %get3A_782 = arith.constant 656 : index
        %get3A_783 = tpu.vector_load %arg6[%get3A_780, %get3A_781, %get3A_782] {strides = array<i32>} : memref<2x32x768xf32, #tpu.memory_space<vmem>>, vector<1x1x16xf32>,
        %get3A_784 = vector.shape_cast %get3A_783 : vector<1x1x16xf32> to vector<16xf32>
        %swap3A_785 = arith.index_cast %rem3A_250 : i32 to index
        %swap3A_786 = arith.index_cast %scan3A_330 : i32 to index
        %swap3A_787 = arith.constant 656 : index
        %swap3A_788 = tpu.vector_load %arg5[%swap3A_785, %swap3A_786, %swap3A_787] {strides = array<i32>} : memref<3x32x768xf32, #tpu.memory_space<vmem>>, vector<1x1x16xf32>,
        %swap3A_789 = vector.shape_cast %swap3A_788 : vector<1x1x16xf32> to vector<16xf32>
        %swap3A_790 = vector.shape_cast %get3A_784 : vector<16xf32> to vector<1x1x16xf32>
        tpu.vector_store %arg5[%swap3A_785, %swap3A_786, %swap3A_787], %swap3A_790 {add = true, strides = array<i32>} : memref<3x32x768xf32, #tpu.memory_space<vmem>>, vector<1x1x16xf32>,
        %get3A_791 = arith.index_cast %rem3A_177 : i32 to index
        %get3A_792 = arith.index_cast %scan3A_330 : i32 to index
        %get3A_793 = arith.constant 672 : index
        %get3A_794 = tpu.vector_load %arg6[%get3A_791, %get3A_792, %get3A_793] {strides = array<i32>} : memref<2x32x768xf32, #tpu.memory_space<vmem>>, vector<1x1x16xf32>,
        %get3A_795 = vector.shape_cast %get3A_794 : vector<1x1x16xf32> to vector<16xf32>
        %swap3A_796 = arith.index_cast %rem3A_250 : i32 to index
        %swap3A_797 = arith.index_cast %scan3A_330 : i32 to index
        %swap3A_798 = arith.constant 672 : index
        %swap3A_799 = tpu.vector_load %arg5[%swap3A_796, %swap3A_797, %swap3A_798] {strides = array<i32>} : memref<3x32x768xf32, #tpu.memory_space<vmem>>, vector<1x1x16xf32>,
        %swap3A_800 = vector.shape_cast %swap3A_799 : vector<1x1x16xf32> to vector<16xf32>
        %swap3A_801 = vector.shape_cast %get3A_795 : vector<16xf32> to vector<1x1x16xf32>
        tpu.vector_store %arg5[%swap3A_796, %swap3A_797, %swap3A_798], %swap3A_801 {add = true, strides = array<i32>} : memref<3x32x768xf32, #tpu.memory_space<vmem>>, vector<1x1x16xf32>,
        %get3A_802 = arith.index_cast %rem3A_177 : i32 to index
        %get3A_803 = arith.index_cast %scan3A_330 : i32 to index
        %get3A_804 = arith.constant 688 : index
        %get3A_805 = tpu.vector_load %arg6[%get3A_802, %get3A_803, %get3A_804] {strides = array<i32>} : memref<2x32x768xf32, #tpu.memory_space<vmem>>, vector<1x1x16xf32>,
        %get3A_806 = vector.shape_cast %get3A_805 : vector<1x1x16xf32> to vector<16xf32>
        %swap3A_807 = arith.index_cast %rem3A_250 : i32 to index
        %swap3A_808 = arith.index_cast %scan3A_330 : i32 to index
        %swap3A_809 = arith.constant 688 : index
        %swap3A_810 = tpu.vector_load %arg5[%swap3A_807, %swap3A_808, %swap3A_809] {strides = array<i32>} : memref<3x32x768xf32, #tpu.memory_space<vmem>>, vector<1x1x16xf32>,
        %swap3A_811 = vector.shape_cast %swap3A_810 : vector<1x1x16xf32> to vector<16xf32>
        %swap3A_812 = vector.shape_cast %get3A_806 : vector<16xf32> to vector<1x1x16xf32>
        tpu.vector_store %arg5[%swap3A_807, %swap3A_808, %swap3A_809], %swap3A_812 {add = true, strides = array<i32>} : memref<3x32x768xf32, #tpu.memory_space<vmem>>, vector<1x1x16xf32>,
        %get3A_813 = arith.index_cast %rem3A_177 : i32 to index
        %get3A_814 = arith.index_cast %scan3A_330 : i32 to index
        %get3A_815 = arith.constant 704 : index
        %get3A_816 = tpu.vector_load %arg6[%get3A_813, %get3A_814, %get3A_815] {strides = array<i32>} : memref<2x32x768xf32, #tpu.memory_space<vmem>>, vector<1x1x16xf32>,
        %get3A_817 = vector.shape_cast %get3A_816 : vector<1x1x16xf32> to vector<16xf32>
        %swap3A_818 = arith.index_cast %rem3A_250 : i32 to index
        %swap3A_819 = arith.index_cast %scan3A_330 : i32 to index
        %swap3A_820 = arith.constant 704 : index
        %swap3A_821 = tpu.vector_load %arg5[%swap3A_818, %swap3A_819, %swap3A_820] {strides = array<i32>} : memref<3x32x768xf32, #tpu.memory_space<vmem>>, vector<1x1x16xf32>,
        %swap3A_822 = vector.shape_cast %swap3A_821 : vector<1x1x16xf32> to vector<16xf32>
        %swap3A_823 = vector.shape_cast %get3A_817 : vector<16xf32> to vector<1x1x16xf32>
        tpu.vector_store %arg5[%swap3A_818, %swap3A_819, %swap3A_820], %swap3A_823 {add = true, strides = array<i32>} : memref<3x32x768xf32, #tpu.memory_space<vmem>>, vector<1x1x16xf32>,
        %get3A_824 = arith.index_cast %rem3A_177 : i32 to index
        %get3A_825 = arith.index_cast %scan3A_330 : i32 to index
        %get3A_826 = arith.constant 720 : index
        %get3A_827 = tpu.vector_load %arg6[%get3A_824, %get3A_825, %get3A_826] {strides = array<i32>} : memref<2x32x768xf32, #tpu.memory_space<vmem>>, vector<1x1x16xf32>,
        %get3A_828 = vector.shape_cast %get3A_827 : vector<1x1x16xf32> to vector<16xf32>
        %swap3A_829 = arith.index_cast %rem3A_250 : i32 to index
        %swap3A_830 = arith.index_cast %scan3A_330 : i32 to index
        %swap3A_831 = arith.constant 720 : index
        %swap3A_832 = tpu.vector_load %arg5[%swap3A_829, %swap3A_830, %swap3A_831] {strides = array<i32>} : memref<3x32x768xf32, #tpu.memory_space<vmem>>, vector<1x1x16xf32>,
        %swap3A_833 = vector.shape_cast %swap3A_832 : vector<1x1x16xf32> to vector<16xf32>
        %swap3A_834 = vector.shape_cast %get3A_828 : vector<16xf32> to vector<1x1x16xf32>
        tpu.vector_store %arg5[%swap3A_829, %swap3A_830, %swap3A_831], %swap3A_834 {add = true, strides = array<i32>} : memref<3x32x768xf32, #tpu.memory_space<vmem>>, vector<1x1x16xf32>,
        %get3A_835 = arith.index_cast %rem3A_177 : i32 to index
        %get3A_836 = arith.index_cast %scan3A_330 : i32 to index
        %get3A_837 = arith.constant 736 : index
        %get3A_838 = tpu.vector_load %arg6[%get3A_835, %get3A_836, %get3A_837] {strides = array<i32>} : memref<2x32x768xf32, #tpu.memory_space<vmem>>, vector<1x1x16xf32>,
        %get3A_839 = vector.shape_cast %get3A_838 : vector<1x1x16xf32> to vector<16xf32>
        %swap3A_840 = arith.index_cast %rem3A_250 : i32 to index
        %swap3A_841 = arith.index_cast %scan3A_330 : i32 to index
        %swap3A_842 = arith.constant 736 : index
        %swap3A_843 = tpu.vector_load %arg5[%swap3A_840, %swap3A_841, %swap3A_842] {strides = array<i32>} : memref<3x32x768xf32, #tpu.memory_space<vmem>>, vector<1x1x16xf32>,
        %swap3A_844 = vector.shape_cast %swap3A_843 : vector<1x1x16xf32> to vector<16xf32>
        %swap3A_845 = vector.shape_cast %get3A_839 : vector<16xf32> to vector<1x1x16xf32>
        tpu.vector_store %arg5[%swap3A_840, %swap3A_841, %swap3A_842], %swap3A_845 {add = true, strides = array<i32>} : memref<3x32x768xf32, #tpu.memory_space<vmem>>, vector<1x1x16xf32>,
        %get3A_846 = arith.index_cast %rem3A_177 : i32 to index
        %get3A_847 = arith.index_cast %scan3A_330 : i32 to index
        %get3A_848 = arith.constant 752 : index
        %get3A_849 = tpu.vector_load %arg6[%get3A_846, %get3A_847, %get3A_848] {strides = array<i32>} : memref<2x32x768xf32, #tpu.memory_space<vmem>>, vector<1x1x16xf32>,
        %get3A_850 = vector.shape_cast %get3A_849 : vector<1x1x16xf32> to vector<16xf32>
        %swap3A_851 = arith.index_cast %rem3A_250 : i32 to index
        %swap3A_852 = arith.index_cast %scan3A_330 : i32 to index
        %swap3A_853 = arith.constant 752 : index
        %swap3A_854 = tpu.vector_load %arg5[%swap3A_851, %swap3A_852, %swap3A_853] {strides = array<i32>} : memref<3x32x768xf32, #tpu.memory_space<vmem>>, vector<1x1x16xf32>,
        %swap3A_855 = vector.shape_cast %swap3A_854 : vector<1x1x16xf32> to vector<16xf32>
        %swap3A_856 = vector.shape_cast %get3A_850 : vector<16xf32> to vector<1x1x16xf32>
        tpu.vector_store %arg5[%swap3A_851, %swap3A_852, %swap3A_853], %swap3A_856 {add = true, strides = array<i32>} : memref<3x32x768xf32, #tpu.memory_space<vmem>>, vector<1x1x16xf32>,
      }
      %scan3A_255 = arith.constant 32 : i32
      %rem3A_256 = arith.constant 3 : i32
      %rem3A_257 = arith.remsi %scan3A_144, %rem3A_256 : i32
      %jit3A_258 = arith.constant 4 : i32
      %eq3A_259 = arith.constant 0 : i32
      %eq3A_260 = arith.cmpi eq, %jit3A_258, %eq3A_259 : i32
      %jit3A_261 = arith.constant 1 : i32
      %select_n3A_262 = arith.select %eq3A_260, %jit3A_261, %jit3A_258 : i32
      %rem3A_263 = arith.remsi %scan3A_144, %select_n3A_262 : i32
      %ne3A_264 = arith.constant 0 : i32
      %ne3A_265 = arith.cmpi ne, %rem3A_263, %ne3A_264 : i32
      %lt3A_266 = arith.constant 0 : i32
      %lt3A_267 = arith.cmpi slt, %rem3A_263, %lt3A_266 : i32
      %lt3A_268 = arith.constant 0 : i32
      %lt3A_269 = arith.cmpi slt, %select_n3A_262, %lt3A_268 : i32
      %ne3A_270 = arith.xori %lt3A_267, %lt3A_269 : i1
      %and3A_271 = arith.andi %ne3A_270, %ne3A_265 : i1
      %add3A_272 = arith.addi %rem3A_263, %select_n3A_262 : i32
      %select_n3A_273 = arith.select %and3A_271, %add3A_272, %rem3A_263 : i32
      %mul3A_274 = arith.constant 8192 : i32
      %mul3A_275 = arith.muli %select_n3A_273, %mul3A_274 : i32
      %add3A_276 = arith.addi %mul3A_275, %mul3A_2 : i32
      %jit3A_277 = arith.constant 4 : i32
      %div3A_278 = arith.divsi %scan3A_144, %jit3A_277 : i32
      %sign3A_279 = arith.constant 0 : i32
      %sign3A_280 = arith.cmpi sgt, %scan3A_144, %sign3A_279 : i32
      %sign3A_281 = arith.extui %sign3A_280 : i1 to i32
      %sign3A_282 = arith.constant 0 : i32
      %sign3A_283 = arith.cmpi slt, %scan3A_144, %sign3A_282 : i32
      %sign3A_284 = arith.extui %sign3A_283 : i1 to i32
      %sign3A_285 = arith.subi %sign3A_281, %sign3A_284 : i32
      %sign3A_286 = arith.constant 0 : i32
      %sign3A_287 = arith.cmpi sgt, %jit3A_277, %sign3A_286 : i32
      %sign3A_288 = arith.extui %sign3A_287 : i1 to i32
      %sign3A_289 = arith.constant 0 : i32
      %sign3A_290 = arith.cmpi slt, %jit3A_277, %sign3A_289 : i32
      %sign3A_291 = arith.extui %sign3A_290 : i1 to i32
      %sign3A_292 = arith.subi %sign3A_288, %sign3A_291 : i32
      %ne3A_293 = arith.cmpi ne, %sign3A_285, %sign3A_292 : i32
      %rem3A_294 = arith.remsi %scan3A_144, %jit3A_277 : i32
      %ne3A_295 = arith.constant 0 : i32
      %ne3A_296 = arith.cmpi ne, %rem3A_294, %ne3A_295 : i32
      %and3A_297 = arith.andi %ne3A_293, %ne3A_296 : i1
      %sub3A_298 = arith.constant 1 : i32
      %sub3A_299 = arith.subi %div3A_278, %sub3A_298 : i32
      %select_n3A_300 = arith.select %and3A_297, %sub3A_299, %div3A_278 : i32
      %mul3A_301 = arith.constant 32 : i32
      %mul3A_302 = arith.muli %select_n3A_300, %mul3A_301 : i32
      %add3A_303 = arith.addi %add3A_276, %mul3A_302 : i32
      %rem3A_304 = arith.constant 3 : i32
      %rem3A_305 = arith.remsi %scan3A_144, %rem3A_304 : i32
      %dma_start3A_306 = arith.constant 0 : i32
      %dma_start3A_307 = arith.constant 0 : i32
      %dma_start3A_308 = tpu.memref_slice %arg5[%rem3A_257, %dma_start3A_306, %dma_start3A_307] : memref<3x32x768xf32, #tpu.memory_space<vmem>> -> memref<1x32x768xf32, #tpu.memory_space<vmem>>
      %dma_start3A_309 = tpu.memref_squeeze %dma_start3A_308 : memref<1x32x768xf32, #tpu.memory_space<vmem>> -> memref<32x768xf32, #tpu.memory_space<vmem>>
      %dma_start3A_310 = arith.constant 0 : i32
      %dma_start3A_311 = tpu.memref_slice %arg4[%add3A_303, %dma_start3A_310] : memref<32768x768xf32, #tpu.memory_space<hbm>> -> memref<32x768xf32, #tpu.memory_space<hbm>>
      %dma_start3A_312 = tpu.memref_slice %arg8[%rem3A_305] : memref<3x!tpu.dma_semaphore, #tpu.memory_space<semaphore_mem>> -> memref<1x!tpu.dma_semaphore, #tpu.memory_space<semaphore_mem>>
      %dma_start3A_313 = tpu.memref_squeeze %dma_start3A_312 : memref<1x!tpu.dma_semaphore, #tpu.memory_space<semaphore_mem>> -> memref<!tpu.dma_semaphore, #tpu.memory_space<semaphore_mem>>
      %dma_start3A_314 = arith.constant 0 : i32
      %dma_start3A_315 = tpu.memref_slice %arg4[%add3A_303, %dma_start3A_314] : memref<32768x768xf32, #tpu.memory_space<hbm>> -> memref<32x768xf32, #tpu.memory_space<hbm>>
      %dma_start3A_316 = arith.constant 0 : i32
      %dma_start3A_317 = arith.constant 0 : i32
      %dma_start3A_318 = tpu.memref_slice %arg5[%rem3A_257, %dma_start3A_316, %dma_start3A_317] : memref<3x32x768xf32, #tpu.memory_space<vmem>> -> memref<1x32x768xf32, #tpu.memory_space<vmem>>
      %dma_start3A_319 = tpu.memref_squeeze %dma_start3A_318 : memref<1x32x768xf32, #tpu.memory_space<vmem>> -> memref<32x768xf32, #tpu.memory_space<vmem>>
      tpu.enqueue_dma source(%dma_start3A_319 : memref<32x768xf32, #tpu.memory_space<vmem>>) target(%dma_start3A_315 : memref<32x768xf32, #tpu.memory_space<hbm>>) target_semaphore(%dma_start3A_313 : memref<!tpu.dma_semaphore, #tpu.memory_space<semaphore_mem>>)
      %eq3A_320 = arith.constant 3 : i32
      %eq3A_321 = arith.cmpi eq, %select_n3A_175, %eq3A_320 : i32
      %add3A_322 = arith.constant 2 : i32
      %add3A_323 = arith.addi %select_n3A, %add3A_322 : i32
      %lt3A_324 = arith.constant 8 : i32
      %lt3A_325 = arith.cmpi slt, %add3A_323, %lt3A_324 : i32
      %and3A_326 = arith.andi %eq3A_321, %lt3A_325 : i1
      %convert_element_type3A_327 = arith.extui %and3A_326 : i1 to i32
      %cond3A_328 = arith.constant 0 : i32
      %cond3A_329 = arith.cmpi ne, %convert_element_type3A_327, %cond3A_328 : i32
      scf.if %cond3A_329 {
        %add3A_330 = arith.constant 2 : i32
        %add3A_331 = arith.addi %select_n3A, %add3A_330 : i32
        %mul3A_332 = arith.constant 32 : i32
        %mul3A_333 = arith.muli %add3A_331, %mul3A_332 : i32
        %add3A_334 = arith.addi %mul3A_2, %mul3A_333 : i32
        %rem3A_335 = arith.constant 2 : i32
        %rem3A_336 = arith.remsi %add3A_331, %rem3A_335 : i32
        %rem3A_337 = arith.constant 2 : i32
        %rem3A_338 = arith.remsi %add3A_331, %rem3A_337 : i32
        %dma_start3A_339 = arith.constant 0 : i32
        %dma_start3A_340 = arith.constant 0 : i32
        %dma_start3A_341 = tpu.memref_slice %arg6[%rem3A_336, %dma_start3A_339, %dma_start3A_340] : memref<2x32x768xf32, #tpu.memory_space<vmem>> -> memref<1x32x768xf32, #tpu.memory_space<vmem>>
        %dma_start3A_342 = tpu.memref_squeeze %dma_start3A_341 : memref<1x32x768xf32, #tpu.memory_space<vmem>> -> memref<32x768xf32, #tpu.memory_space<vmem>>
        %dma_start3A_343 = arith.constant 0 : i32
        %dma_start3A_344 = tpu.memref_slice %arg3[%add3A_334, %dma_start3A_343] : memref<8192x768xf32, #tpu.memory_space<hbm>> -> memref<32x768xf32, #tpu.memory_space<hbm>>
        %dma_start3A_345 = tpu.memref_slice %arg9[%rem3A_338] : memref<2x!tpu.dma_semaphore, #tpu.memory_space<semaphore_mem>> -> memref<1x!tpu.dma_semaphore, #tpu.memory_space<semaphore_mem>>
        %dma_start3A_346 = tpu.memref_squeeze %dma_start3A_345 : memref<1x!tpu.dma_semaphore, #tpu.memory_space<semaphore_mem>> -> memref<!tpu.dma_semaphore, #tpu.memory_space<semaphore_mem>>
        %dma_start3A_347 = arith.constant 0 : i32
        %dma_start3A_348 = arith.constant 0 : i32
        %dma_start3A_349 = tpu.memref_slice %arg6[%rem3A_336, %dma_start3A_347, %dma_start3A_348] : memref<2x32x768xf32, #tpu.memory_space<vmem>> -> memref<1x32x768xf32, #tpu.memory_space<vmem>>
        %dma_start3A_350 = tpu.memref_squeeze %dma_start3A_349 : memref<1x32x768xf32, #tpu.memory_space<vmem>> -> memref<32x768xf32, #tpu.memory_space<vmem>>
        %dma_start3A_351 = arith.constant 0 : i32
        %dma_start3A_352 = tpu.memref_slice %arg3[%add3A_334, %dma_start3A_351] : memref<8192x768xf32, #tpu.memory_space<hbm>> -> memref<32x768xf32, #tpu.memory_space<hbm>>
        tpu.enqueue_dma source(%dma_start3A_352 : memref<32x768xf32, #tpu.memory_space<hbm>>) target(%dma_start3A_350 : memref<32x768xf32, #tpu.memory_space<vmem>>) target_semaphore(%dma_start3A_346 : memref<!tpu.dma_semaphore, #tpu.memory_space<semaphore_mem>>)
      } else {
      }
    }
    %scan3A_120 = arith.constant 32 : i32
    %rem3A_121 = arith.constant 31 : i32
    %rem3A_122 = arith.constant 3 : i32
    %rem3A_123 = arith.remsi %rem3A_121, %rem3A_122 : i32
    %add3A_124 = arith.constant 24576 : i32
    %add3A_125 = arith.addi %add3A_124, %mul3A_2 : i32
    %add3A_126 = arith.constant 224 : i32
    %add3A_127 = arith.addi %add3A_125, %add3A_126 : i32
    %rem3A_128 = arith.constant 31 : i32
    %rem3A_129 = arith.constant 3 : i32
    %rem3A_130 = arith.remsi %rem3A_128, %rem3A_129 : i32
    %dma_wait3A = arith.constant 0 : i32
    %dma_wait3A_131 = arith.constant 0 : i32
    %dma_wait3A_132 = tpu.memref_slice %arg5[%rem3A_123, %dma_wait3A, %dma_wait3A_131] : memref<3x32x768xf32, #tpu.memory_space<vmem>> -> memref<1x32x768xf32, #tpu.memory_space<vmem>>
    %dma_wait3A_133 = tpu.memref_squeeze %dma_wait3A_132 : memref<1x32x768xf32, #tpu.memory_space<vmem>> -> memref<32x768xf32, #tpu.memory_space<vmem>>
    %dma_wait3A_134 = arith.constant 0 : i32
    %dma_wait3A_135 = tpu.memref_slice %arg4[%add3A_127, %dma_wait3A_134] : memref<32768x768xf32, #tpu.memory_space<hbm>> -> memref<32x768xf32, #tpu.memory_space<hbm>>
    %dma_wait3A_136 = tpu.memref_slice %arg8[%rem3A_130] : memref<3x!tpu.dma_semaphore, #tpu.memory_space<semaphore_mem>> -> memref<1x!tpu.dma_semaphore, #tpu.memory_space<semaphore_mem>>
    %dma_wait3A_137 = tpu.memref_squeeze %dma_wait3A_136 : memref<1x!tpu.dma_semaphore, #tpu.memory_space<semaphore_mem>> -> memref<!tpu.dma_semaphore, #tpu.memory_space<semaphore_mem>>
    %dma_wait3A_138 = arith.constant 0 : i32
    %dma_wait3A_139 = tpu.memref_slice %arg4[%add3A_127, %dma_wait3A_138] : memref<32768x768xf32, #tpu.memory_space<hbm>> -> memref<32x768xf32, #tpu.memory_space<hbm>>
    %dma_wait3A_140 = arith.constant 0 : i32
    %dma_wait3A_141 = arith.constant 0 : i32
    %dma_wait3A_142 = tpu.memref_slice %arg5[%rem3A_123, %dma_wait3A_140, %dma_wait3A_141] : memref<3x32x768xf32, #tpu.memory_space<vmem>> -> memref<1x32x768xf32, #tpu.memory_space<vmem>>
    %dma_wait3A_143 = tpu.memref_squeeze %dma_wait3A_142 : memref<1x32x768xf32, #tpu.memory_space<vmem>> -> memref<32x768xf32, #tpu.memory_space<vmem>>
    tpu.wait_dma2 semaphore(%dma_wait3A_137 : memref<!tpu.dma_semaphore, #tpu.memory_space<semaphore_mem>>) src(%dma_wait3A_143 : memref<32x768xf32, #tpu.memory_space<vmem>>) dst(%dma_wait3A_139 : memref<32x768xf32, #tpu.memory_space<hbm>>)
    return
  }
}

</mosaic_0001>

<sc_bundles>
// kernel: kernel.3.cloned.1.call-start
scs
__scs_entry_jumppad:
0x0: {  	(pc) =	sbr.rel $0x88, $3  }
0x1: {  	(tag) =	ssettag $0x0;
	lr =	simm.s32 $0x1  }
0x2: {  	[smem:$0x3F9F] =	sst lr;
	_ =	strace $0xD0000000  }
0x3: {  	_ = 	snop  }
0x4: {  	_ = 	snop  }
0x5: {  	_ = 	snop  }
0x6: {  	_ = 	snop  }
0x7: {  	_ = 	snop  }
__scs_overlays_trampoline_lowered:
0x8: {  	[smem:$0x3FAE] =	sst s0  }
0x9: {  	[smem:$0x3FAF] =	sst s1  }
0xa: {  	[smem:$0x3FB0] =	sst s2  }
0xb: {  	[smem:$0x3FB1] =	sst s3  }
0xc: {  	[smem:$0x3FB2] =	sst s4  }
0xd: {  	[smem:$0x3FB3] =	sst s5  }
0xe: {  	[smem:$0x3FB4] =	sst s6  }
0xf: {  	[smem:$0x3FB5] =	sst s7  }
0x10: {  	[smem:$0x3FB6] =	sst s8  }
0x11: {  	[smem:$0x3FB7] =	sst s9;
	s0 =	simm.s32 @!p0 $0x0  }
0x12: {  	s1 =	sld [smem:$0x3F9D];
	s0 =	simm.s32 @p0 $0x1  }
0x13: {  	[smem:$0x3FB8] =	sst s0;
	s0 =	simm.s32 @!p1 $0x0  }
0x14: {  	s2 =	sld [smem:$0x3F9C];
	s0 =	simm.s32 @p1 $0x1  }
0x15: {  	[smem:$0x3FB9] =	sst s0;
	s0 =	simm.s32 @!p2 $0x0  }
0x16: {  	s3 =	sld [smem:$0x3FDB];
	s0 =	simm.s32 @p2 $0x1  }
0x17: {  	s4 =	simm.s32 $0x1BF5;
	[smem:$0x3FBB] =	sst s0  }
0x18: {  	s0 =	sld [smem:$0x3F9E];
	_ =	swait.ge [sflag:s4], $0x0  }
0x19: {  	s7 =	sld [smem:$0x3F9F]  }
0x1a: {  	s8 =	sadd.s32 $0xFFFFE003, lr  }
0x1b: {  	s9 =	sadd.s32 $0xFFFFFEF7, lr;
	s5 =	simm.s32 $0xFFFFFFFF;
	p2 =	slt.u32 s8, $0xFFFFF086  }
0x1c: {  	p1 =	slt.u32 s9, $0xF7A;
	s5 =	simm.s32 @!p2 $0x0  }
0x1d: {  	s5 =	simm.s32 @p1 $0x1;
	p0 =	seq.s32 s7, s2  }
0x1e: {  	s7 =	smul.u32 @!p0 $0xF7A, s2;
	p2 =	seq.s32 @!p0 s5, $0x0  }
0x1f: {  	s9 =	smul.u32 $0xF7A, s1;
	s8 =	simm.s32 @!p0 $0x1BF5;
	p2 =	por !p2, p0  }
0x20: {  	[sflag:s8] =	ssyncset.s32 @!p0 $0xFFFFF086;
	s6 =	sadd.s32 @!p0 s3, s7;
	s7 =	simm.s32 @!p0 $0x108  }
0x21: {  	s3 =	sadd.s32 s3, s9;
	s6 =	sadd.s32 @!p0 $0x88, s6;
	s7 =	simm.s32 @p2 $0x1082  }
0x22: {  	[simem:s7], [sflag:s8] =	dma.local @!p0 [hbm:s6], $0xF7A  }
0x23: {  	s9 =	sor.u32 $0xD0000000, s2;
	s6 =	simm.s32 $0x108;
	_ =	swait.ge @!p0 [sflag:s8], $0x0  }
0x24: {  	s3 =	sadd.s32 $0x88, s3;
	s6 =	simm.s32 @!p1 $0x1082;
	[sflag:s4] =	ssyncset.s32 $0xFFFFF086  }
0x25: {  	[simem:s6], [sflag:s4] =	dma.local [hbm:s3], $0xF7A  }
0x26: {  	[smem:$0x3F9F] =	sst s1;
	(tag) =	ssettag s2;
	_ =	strace s9  }
0x27: {  	s1 =	sld [smem:$0x3FAF]  }
0x28: {  	s2 =	sld [smem:$0x3FB0]  }
0x29: {  	s4 =	sld [smem:$0x3FB2]  }
0x2a: {  	p0 =	seq.s32 s5, $0x0;
	s5 =	sld [smem:$0x3FB3]  }
0x2b: {  	s6 =	sld [smem:$0x3FB4]  }
0x2c: {  	s7 =	sld [smem:$0x3FB5]  }
0x2d: {  	s3 =	simm.s32 $0x108;
	s8 =	sld [smem:$0x3FB6]  }
0x2e: {  	s3 =	simm.s32 @!p0 $0x1082;
	s9 =	sld [smem:$0x3FB7]  }
0x2f: {  	lr =	sadd.s32 s0, s3;
	s0 =	sld [smem:$0x3FAE]  }
0x30: {  	s3 =	sld [smem:$0x3FB1]  }
0x31: {  	[smem:$0x3FBA] =	sst s10  }
0x32: {  	s10 =	sld [smem:$0x3FB8];
	_ =	sdelay $0x3  }
0x33: {  	p0 =	seq.s32 s10, $0x1;
	s10 =	sld [smem:$0x3FBA];
	_ =	sdelay $0x3  }
0x34: {  	[smem:$0x3FBA] =	sst s10  }
0x35: {  	s10 =	sld [smem:$0x3FB9];
	_ =	sdelay $0x3  }
0x36: {  	p1 =	seq.s32 s10, $0x1;
	s10 =	sld [smem:$0x3FBA];
	_ =	sdelay $0x3  }
0x37: {  	[smem:$0x3FBA] =	sst s10  }
0x38: {  	s10 =	sld [smem:$0x3FBB]  }
0x39: {  	_ = 	snop;
	(pc) =	sbr.ind lr, $3  }
0x3a: {  	_ = 	snop  }
0x3b: {  	_ = 	snop  }
0x3c: {  	p2 =	seq.s32 s10, $0x1;
	s10 =	sld [smem:$0x3FBA]  }
0x3d: {  	_ =	shalt  }
0x3e: {  	_ =	shalt  }
0x3f: {  	_ =	shalt  }
0x40: {  	_ =	shalt  }
0x41: {  	_ =	shalt  }
0x42: {  	_ =	shalt  }
0x43: {  	_ =	shalt  }
0x44: {  	_ =	shalt  }
0x45: {  	_ =	shalt  }
0x46: {  	_ =	shalt  }
0x47: {  	_ =	shalt  }
0x48: {  	_ =	shalt  }
0x49: {  	_ =	shalt  }
0x4a: {  	_ =	shalt  }
0x4b: {  	_ =	shalt  }
0x4c: {  	_ =	shalt  }
0x4d: {  	_ =	shalt  }
0x4e: {  	_ =	shalt  }
0x4f: {  	_ =	shalt  }
0x50: {  	_ =	shalt  }
0x51: {  	_ =	shalt  }
0x52: {  	_ =	shalt  }
0x53: {  	_ =	shalt  }
0x54: {  	_ =	shalt  }
0x55: {  	_ =	shalt  }
0x56: {  	_ =	shalt  }
0x57: {  	_ =	shalt  }
0x58: {  	_ =	shalt  }
0x59: {  	_ =	shalt  }
0x5a: {  	_ =	shalt  }
0x5b: {  	_ =	shalt  }
0x5c: {  	_ =	shalt  }
0x5d: {  	_ =	shalt  }
0x5e: {  	_ =	shalt  }
0x5f: {  	_ =	shalt  }
0x60: {  	_ =	shalt  }
0x61: {  	_ =	shalt  }
0x62: {  	_ =	shalt  }
0x63: {  	_ =	shalt  }
0x64: {  	_ =	shalt  }
0x65: {  	_ =	shalt  }
0x66: {  	_ =	shalt  }
0x67: {  	_ =	shalt  }
0x68: {  	_ =	shalt  }
0x69: {  	_ =	shalt  }
0x6a: {  	_ =	shalt  }
0x6b: {  	_ =	shalt  }
0x6c: {  	_ =	shalt  }
0x6d: {  	_ =	shalt  }
0x6e: {  	_ =	shalt  }
0x6f: {  	_ =	shalt  }
0x70: {  	_ =	shalt  }
0x71: {  	_ =	shalt  }
0x72: {  	_ =	shalt  }
0x73: {  	_ =	shalt  }
0x74: {  	_ =	shalt  }
0x75: {  	_ =	shalt  }
0x76: {  	_ =	shalt  }
0x77: {  	_ =	shalt  }
0x78: {  	_ =	shalt  }
0x79: {  	_ =	shalt  }
0x7a: {  	_ =	shalt  }
0x7b: {  	_ =	shalt  }
0x7c: {  	_ =	shalt  }
0x7d: {  	_ =	shalt  }
0x7e: {  	_ =	shalt  }
0x7f: {  	_ =	shalt  }
0x80: {  	_ =	shalt  }
0x81: {  	_ =	shalt  }
0x82: {  	_ =	shalt  }
0x83: {  	_ =	shalt  }
0x84: {  	_ =	shalt  }
0x85: {  	_ =	shalt  }
0x86: {  	_ =	shalt  }
0x87: {  	_ =	shalt  }
.Lfunc_end0:
.L_simem_size_0:
called_computation_lowered:
.L_overlay_start_0:
0x88: {  	s2 =	sld [smem:$0x3FD9]  }
0x89: {  	s3 =	sld [smem:$0x3FFE];
	_ =	sdelay $0x1  }
0x8a: {  	s1 =	srdreg.scid  }
0x8b: {  	s0 =	sand.u32 $0x1, s1  }
0x8c: {  	s18 =	sshll.u32 s0, $0xA;
	s2 =	sadd.s32 s3, s2  }
0x8d: {  	s2 =	sadd.s32 s2, s18  }
0x8e: {  	[smem:$0x3FC6] =	sst s2  }
0x8f: {  	_ = 	snop  }
0x90: {  	s2 =	sld [smem:$0x3FC9]  }
0x91: {  	s19 =	sld [smem:$0x3FC8]  }
0x92: {  	s4 =	sld [smem:$0x3FD0];
	(tm) =	ssettm $0x1  }
0x93: {  	s5 =	sld [smem:$0x3FFB];
	_ =	sdelay $0x3  }
0x94: {  	_ =	strace s5  }
0x95: {  	s5 =	sld [smem:$0x3FFC];
	_ =	sdelay $0x3  }
0x96: {  	_ =	strace s5  }
0x97: {  	s5 =	sld [smem:$0x3FFD];
	_ =	sdelay $0x3  }
0x98: {  	_ =	strace s5  }
0x99: {  	_ =	strace $0x8FFFFFFF  }
0x9a: {  	s20 =	sld [smem:$0x3FDB];
	_ =	sdelay $0x1  }
0x9b: {  	s6 =	simm.s32 $_scs_section_size  }
0x9c: {  	s7 =	simm.s32 $_size__tile_overlayer_lowered;
	s8 =	simm.s32 $_tile_overlayer_lowered  }
0x9d: {  	s23 =	simm.s32 $0x1BFF;
	s22 =	sshll.u32 s8, $0x1;
	s5 =	sadd.s32 s6, s20  }
0x9e: {  	s9 =	simm.s32 $0x0;
	s21 =	sshll.u32 s7, $0x1;
	s7 =	sadd.s32 s22, s5  }
0x9f: {  	[timem:s9], [sflag:s23] =	dma.local [hbm:s7], s21  }
0xa0: {  	_ =	swait.ge [sflag:s23], s21  }
0xa1: {  	s6 =	ssub.s32 $0x0, s21;
	[sflag:s23] =	ssyncset.done $0x0  }
0xa2: {  	[sflag:s23] =	ssyncadd.s32 s6;
	_ =	sdelay $0x1  }
0xa3: {  	s24 =	simm.s32 $0x1B8B  }
0xa4: {  	_ =	swait.ge [sflag:s24], $0x1  }
0xa5: {  	[sflag:s24] =	ssyncset.done $0x0  }
0xa6: {  	s25 =	simm.s32 $0x1B8E;
	[sflag:s24] =	ssyncadd.s32 $0xFFFFFFFF  }
0xa7: {  	s26 =	simm.s32 $execute0_lowered;
	[smem:$0x3FD2] =	sst s25  }
0xa8: {  	s6 =	sshll.u32 s26, $0x1;
	_ =	strace $0x80000046;
	[dreg:$0x1] =	wrdreg $0xFFFFFFFF  }
0xa9: {  	s28 =	simm.s32 $_size_execute0_lowered;
	s5 =	sadd.s32 s5, s6;
	[dreg:$0x0] =	wrdreg $0x0  }
0xaa: {  	s6 =	sshll.u32 s28, $0x1;
	[dreg:$0x2] =	wrdreg s5  }
0xab: {  	[dreg:$0x3] =	wrdreg s6  }
0xac: {  	[dreg:$0x4] =	wrdreg $0xC0  }
0xad: {  	_ =	task [dreg:s9], $0x5FFFF  }
0xae: {  	[dreg:$0x1] =	wrdreg $0xFFFFFFFF  }
0xaf: {  	[dreg:$0x0] =	wrdreg $0x60  }
0xb0: {  	[dreg:$0x2] =	wrdreg s2  }
0xb1: {  	[dreg:$0x3] =	wrdreg s19  }
0xb2: {  	[dreg:$0x4] =	wrdreg s4  }
0xb3: {  	[dreg:$0x5] =	wrdreg $0x9  }
0xb4: {  	_ =	task.clear_ibuf [dreg:s9], $0x6FFFF;
	_ =	strace $0x90000046  }
0xb5: {  	s29 =	simm.s32 $0x9;
	_ =	strace $0x80000048  }
0xb6: {  	_ =	swait.ge [sflag:s29], $0x1  }
0xb7: {  	[sflag:s29] =	ssyncadd.s32 $0xFFFFFFFF  }
0xb8: {  	_ =	strace $0x90000048  }
0xb9: {  	_ =	sfence  }
0xba: {  	s30 =	sld [smem:$0x0];
	_ =	sdelay $0x2  }
0xbb: {  	s31 =	sshll.u32 s1, $0xD;
	s1 =	sshrl.u32 s1, $0x2  }
0xbc: {  	s3 =	sand.u32 $0x4000, s31;
	s1 =	sadd.s32 s1, s30  }
0xbd: {  	s0 =	sor.u32 s3, s0;
	s1 =	sshll.u32 s1, $0x11  }
0xbe: {  	s0 =	sor.u32 s1, s0  }
0xbf: {  	s0 =	sadd.s32 $0x8F2B, s0  }
0xc0: {  	[sflag:s0] =	ssyncadd.remote.s32 $0x1  }
0xc1: {  	_ =	sfence.sel $0xFFFF  }
0xc2: {  	[dreg:$0x0] =	wrdreg $0xFFFFFFFF;
	(pc) =	sbr.abs _section_cstart, $3  }
0xc3: {  	[dreg:$0x1] =	wrdreg $0xFFFFFFFF  }
0xc4: {  	_ =	task.clear_ibuf [dreg:s9], $0x2FFFF;
	_ =	strace $0x9FFFFFFF  }
0xc5: {  	(tm) =	ssettm $0x7FFFFFFF  }
tec
execute0_lowered:
.L_overlay_start_1:
0x0: {  	(tag) =	ssettag $0x1  }
0x1: {  	s1 =	rddreg [dreg:$0x0]  }
0x2: {  	s2 =	srdreg.scid;
	s3 =	rddreg [dreg:$0x1]  }
0x3: {  	s0 =	stileid.u32;
	s4 =	rddreg [dreg:$0x2]  }
0x4: {  	s15 =	simm.s32 $0x18000;
	s16 =	simm.s32 $0x6000;
	s2 =	sand.u32 $0x1, s2  }
0x5: {  	s17 =	simm.s32 $0xC000;
	s5 =	sshll.u32 s0, $0x9;
	s6 =	sshll.u32 s2, $0x8  }
0x6: {  	s18 =	simm.s32 $0x5;
	s19 =	simm.s32 $0x0;
	s5 =	sor.u32 s6, s5  }
0x7: {  	s2 =	ssub.s32 $0x2, s2;
	s6 =	simm.s32 $0x0;
	s7 =	sshrl.u32 s5, $0x3  }
0x8: {  	s9 =	sshrl.u32 s2, $0x1;
	[smem:$0x7FF] =	sst s6;
	s8 =	smul.u32 $0x300, s7  }
0x9: {  	s2 =	ssub.s32 s2, s9;
	s12 =	sor.u32 $0x40, s5;
	_ =	strace $0x80000047  }
0xa: {  	s13 =	smax.u32 s2, $0x1;
	s7 =	sadd.s32 s3, s8;
	s8 =	sadd.s32 s1, s8  }
0xb: {  	s9 =	sadd.s32 $0xC00, s7;
	s10 =	sadd.s32 $0xC0000, s8;
	s11 =	sadd.s32 $0x180000, s8  }
.LBB2_1:
0xc: {  	s0 =	simm.s32 $0x12000  }
0xd: {  	[tilespmem:s0], [sflag:$0x7] =	stream.linear.gather [hbm4b:s7+s6], $0x6000, $0x38;
	[tilespmem:$0x1E000] =	vst v63  }
0xe: {  	_ = 	snop  }
0xf: {  	[tilespmem:s15], [sflag:$0x8] =	stream.linear.gather [hbm4b:s9+s6], $0x6000, $0x38;
	[tilespmem:$0x1E000] =	vst v63  }
0x10: {  	_ = 	snop  }
0x11: {  	[tilespmem:s6], [sflag:$0x1] =	stream.linear.gather [hbm4b:s8+s6], $0x6000, $0x38;
	[tilespmem:$0x1E000] =	vst v63  }
0x12: {  	_ = 	snop  }
0x13: {  	[tilespmem:s16], [sflag:$0x2] =	stream.linear.gather [hbm4b:s10+s6], $0x6000, $0x38;
	[tilespmem:$0x1E000] =	vst v63  }
0x14: {  	s20 =	simm.s32 $0x0  }
0x15: {  	[tilespmem:s17], [sflag:$0x3] =	stream.linear.gather [hbm4b:s11+s6], $0x6000, $0x38;
	[tilespmem:$0x1E000] =	vst v63  }
.LBB2_2:
0x16: {  	p1 =	seq.s32 s20, $0x0  }
0x17: {  	s2 =	sadd.s32 @!p1 $0xFFFFFFFF, s20  }
0x18: {  	p0 =	sgt.u32 @!p1 s20, $0x1D;
	s21 =	sand.u32 @!p1 $0xFF, s2  }
0x19: {  	p0 =	por p0, p1;
	s21 =	smul.u32 @!p1 $0xAB, s21  }
0x1a: {  	s22 =	sadd.s32 @!p0 $0x2, s20  }
0x1b: {  	s23 =	smul.u32 @!p0 $0xAB, s22;
	s21 =	sshrl.u32 @!p1 s21, $0x9  }
0x1c: {  	s21 =	smul.u32 @!p1 $0x3, s21;
	_ =	sdelay $0x1  }
0x1d: {  	s24 =	sshll.u32 @!p0 s22, $0x3;
	s2 =	ssub.s32 @!p1 s2, s21;
	s21 =	sshrl.u32 @!p0 s23, $0x9  }
0x1e: {  	s23 =	sshll.u32 @!p0 s22, $0xD;
	s2 =	sor.u32 @!p1 $0x4, s2;
	s21 =	sand.u32 @!p0 $0x7F, s21  }
0x1f: {  	s23 =	sand.u32 @!p0 $0x6000, s23;
	s2 =	sand.u32 @!p1 $0xFF, s2;
	s21 =	smul.u32 @!p0 $0x3, s21  }
0x20: {  	s24 =	sand.u32 @!p0 $0x1E0, s24;
	s23 =	sor.u32 @!p0 s5, s23;
	_ =	swait.ge @!p1 [sflag:s2], $0x6000  }
0x21: {  	s23 =	sadd.s32 @!p0 s24, s23;
	s21 =	ssub.s32 @!p0 s22, s21;
	s22 =	smov.u32 s20  }
0x22: {  	[sflag:s2] =	ssyncset.done @!p1 $0x0;
	s23 =	sshrl.u32 @!p0 s23, $0x3;
	s22 =	simm.s32 @p1 $0x0  }
0x23: {  	[sflag:s2] =	ssyncadd.s32 @!p1 $0xFFFFA000;
	s2 =	smul.u32 @!p0 $0x300, s23;
	s25 =	sand.u32 $0xFF, s22  }
0x24: {  	s21 =	sand.u32 @!p0 $0xFF, s21;
	s25 =	smul.u32 $0xAB, s25  }
0x25: {  	s24 =	smul.u32 @!p0 $0x18000, s21  }
0x26: {  	s21 =	sadd.s32 @!p0 $0x1, s21;
	s2 =	sadd.s32 @!p0 s1, s2;
	s14 =	sshrl.u32 s25, $0x9  }
0x27: {  	s23 =	sshrl.u32 @!p0 s24, $0x2;
	s25 =	simm.s32 @!p0 $0x0;
	s24 =	smul.u32 $0x3, s14  }
0x28: {  	[tilespmem:s23], [sflag:s21] =	stream.linear.gather @!p0 [hbm4b:s2+s25], $0x6000, $0x38;
	[tilespmem:$0x1E000] =	vst v63  }
0x29: {  	s25 =	ssub.s32 s22, s24  }
0x2a: {  	s2 =	sshrl.u32 s20, $0x2;
	s22 =	sand.u32 $0xFF, s25  }
0x2b: {  	s14 =	simm.s32 $0x0;
	s21 =	sand.u32 $0x1, s2;
	s26 =	sadd.s32 $0x1, s22  }
0x2c: {  	s24 =	sand.u32 $0x3, s20;
	s0 =	smul.u32 $0x18000, s21;
	_ =	swait.ge [sflag:s26], $0x6000  }
0x2d: {  	s29 =	smul.u32 $0x1800, s14;
	p0 =	sne.s32 s24, $0x0;
	[sflag:s26] =	ssyncset.done $0x0  }
0x2e: {  	s25 =	sshrl.u32 s0, $0x2;
	[sflag:s26] =	ssyncadd.s32 $0xFFFFA000;
	s26 =	sadd.s32 @!p0 $0x7, s21  }
0x2f: {  	s28 =	simm.s32 $0x0;
	s23 =	sadd.s32 $0x12000, s25;
	_ =	swait.ge @!p0 [sflag:s26], $0x6000  }
0x30: {  	s30 =	sand.u32 $0x380, s28;
	s25 =	sadd.s32 s29, s23;
	[sflag:s26] =	ssyncset.done @!p0 $0x0  }
0x31: {  	s31 =	sadd.s32 s30, s25;
	[sflag:s26] =	ssyncadd.s32 @!p0 $0xFFFFA000  }
0x32: {  	s0 =	smul.u32 $0x18000, s22;
	v0 =	vld [tilespmem:s31+$0x0];
	_ =	sdelay $0x1  }
0x33: {  	s25 =	sshrl.u32 s0, $0x2  }
0x34: {  	s14 =	sadd.s32 s29, s25  }
0x35: {  	s30 =	sadd.s32 s30, s14  }
0x36: {  	[tilespmem:s30+$0x0] =	vst.add.f32.msk $0xffff, v0  }
0x37: {  	v0 =	vld [tilespmem:s31+$0x10];
	_ =	sdelay $0x4  }
0x38: {  	[tilespmem:s30+$0x10] =	vst.add.f32.msk $0xffff, v0  }
0x39: {  	v0 =	vld [tilespmem:s31+$0x20];
	_ =	sdelay $0x4  }
0x3a: {  	[tilespmem:s30+$0x20] =	vst.add.f32.msk $0xffff, v0  }
0x3b: {  	v0 =	vld [tilespmem:s31+$0x30];
	_ =	sdelay $0x4  }
0x3c: {  	[tilespmem:s30+$0x30] =	vst.add.f32.msk $0xffff, v0  }
0x3d: {  	v0 =	vld [tilespmem:s31+$0x40];
	_ =	sdelay $0x4  }
0x3e: {  	[tilespmem:s30+$0x40] =	vst.add.f32.msk $0xffff, v0  }
0x3f: {  	v0 =	vld [tilespmem:s31+$0x50];
	_ =	sdelay $0x4  }
0x40: {  	[tilespmem:s30+$0x50] =	vst.add.f32.msk $0xffff, v0  }
0x41: {  	v0 =	vld [tilespmem:s31+$0x60];
	_ =	sdelay $0x4  }
0x42: {  	[tilespmem:s30+$0x60] =	vst.add.f32.msk $0xffff, v0  }
0x43: {  	v0 =	vld [tilespmem:s31+$0x70];
	_ =	sdelay $0x4  }
0x44: {  	[tilespmem:s30+$0x70] =	vst.add.f32.msk $0xffff, v0  }
0x45: {  	v0 =	vld [tilespmem:s31+$0x400];
	_ =	sdelay $0x4  }
0x46: {  	[tilespmem:s30+$0x400] =	vst.add.f32.msk $0xffff, v0  }
0x47: {  	v0 =	vld [tilespmem:s31+$0x410];
	_ =	sdelay $0x4  }
0x48: {  	[tilespmem:s30+$0x410] =	vst.add.f32.msk $0xffff, v0  }
0x49: {  	v0 =	vld [tilespmem:s31+$0x420];
	_ =	sdelay $0x4  }
0x4a: {  	[tilespmem:s30+$0x420] =	vst.add.f32.msk $0xffff, v0  }
0x4b: {  	v0 =	vld [tilespmem:s31+$0x430];
	_ =	sdelay $0x4  }
0x4c: {  	[tilespmem:s30+$0x430] =	vst.add.f32.msk $0xffff, v0  }
0x4d: {  	v0 =	vld [tilespmem:s31+$0x440];
	_ =	sdelay $0x4  }
0x4e: {  	[tilespmem:s30+$0x440] =	vst.add.f32.msk $0xffff, v0  }
0x4f: {  	v0 =	vld [tilespmem:s31+$0x450];
	_ =	sdelay $0x4  }
0x50: {  	[tilespmem:s30+$0x450] =	vst.add.f32.msk $0xffff, v0  }
0x51: {  	v0 =	vld [tilespmem:s31+$0x460];
	_ =	sdelay $0x4  }
0x52: {  	[tilespmem:s30+$0x460] =	vst.add.f32.msk $0xffff, v0  }
0x53: {  	v0 =	vld [tilespmem:s31+$0x470];
	_ =	sdelay $0x4  }
0x54: {  	[tilespmem:s30+$0x470] =	vst.add.f32.msk $0xffff, v0  }
0x55: {  	v0 =	vld [tilespmem:s31+$0x800];
	_ =	sdelay $0x4  }
0x56: {  	[tilespmem:s30+$0x800] =	vst.add.f32.msk $0xffff, v0  }
0x57: {  	v0 =	vld [tilespmem:s31+$0x810];
	_ =	sdelay $0x4  }
0x58: {  	[tilespmem:s30+$0x810] =	vst.add.f32.msk $0xffff, v0  }
0x59: {  	v0 =	vld [tilespmem:s31+$0x820];
	_ =	sdelay $0x4  }
0x5a: {  	[tilespmem:s30+$0x820] =	vst.add.f32.msk $0xffff, v0  }
0x5b: {  	v0 =	vld [tilespmem:s31+$0x830];
	_ =	sdelay $0x4  }
0x5c: {  	[tilespmem:s30+$0x830] =	vst.add.f32.msk $0xffff, v0  }
0x5d: {  	v0 =	vld [tilespmem:s31+$0x840];
	_ =	sdelay $0x4  }
0x5e: {  	[tilespmem:s30+$0x840] =	vst.add.f32.msk $0xffff, v0  }
0x5f: {  	v0 =	vld [tilespmem:s31+$0x850];
	_ =	sdelay $0x4  }
0x60: {  	[tilespmem:s30+$0x850] =	vst.add.f32.msk $0xffff, v0  }
0x61: {  	v0 =	vld [tilespmem:s31+$0x860];
	_ =	sdelay $0x4  }
0x62: {  	[tilespmem:s30+$0x860] =	vst.add.f32.msk $0xffff, v0  }
0x63: {  	v0 =	vld [tilespmem:s31+$0x870];
	_ =	sdelay $0x4  }
0x64: {  	[tilespmem:s30+$0x870] =	vst.add.f32.msk $0xffff, v0  }
0x65: {  	v0 =	vld [tilespmem:s31+$0xC00];
	_ =	sdelay $0x4  }
0x66: {  	[tilespmem:s30+$0xC00] =	vst.add.f32.msk $0xffff, v0  }
0x67: {  	v0 =	vld [tilespmem:s31+$0xC10];
	_ =	sdelay $0x4  }
0x68: {  	[tilespmem:s30+$0xC10] =	vst.add.f32.msk $0xffff, v0  }
0x69: {  	v0 =	vld [tilespmem:s31+$0xC20];
	_ =	sdelay $0x4  }
0x6a: {  	[tilespmem:s30+$0xC20] =	vst.add.f32.msk $0xffff, v0  }
0x6b: {  	v0 =	vld [tilespmem:s31+$0xC30];
	_ =	sdelay $0x4  }
0x6c: {  	[tilespmem:s30+$0xC30] =	vst.add.f32.msk $0xffff, v0  }
0x6d: {  	v0 =	vld [tilespmem:s31+$0xC40];
	_ =	sdelay $0x4  }
0x6e: {  	[tilespmem:s30+$0xC40] =	vst.add.f32.msk $0xffff, v0  }
0x6f: {  	v0 =	vld [tilespmem:s31+$0xC50];
	_ =	sdelay $0x4  }
0x70: {  	[tilespmem:s30+$0xC50] =	vst.add.f32.msk $0xffff, v0  }
0x71: {  	v0 =	vld [tilespmem:s31+$0xC60];
	_ =	sdelay $0x4  }
0x72: {  	[tilespmem:s30+$0xC60] =	vst.add.f32.msk $0xffff, v0  }
0x73: {  	v0 =	vld [tilespmem:s31+$0xC70];
	_ =	sdelay $0x4  }
0x74: {  	[tilespmem:s30+$0xC70] =	vst.add.f32.msk $0xffff, v0  }
0x75: {  	v0 =	vld [tilespmem:s31+$0x1000];
	_ =	sdelay $0x4  }
0x76: {  	[tilespmem:s30+$0x1000] =	vst.add.f32.msk $0xffff, v0  }
0x77: {  	v0 =	vld [tilespmem:s31+$0x1010];
	_ =	sdelay $0x4  }
0x78: {  	[tilespmem:s30+$0x1010] =	vst.add.f32.msk $0xffff, v0  }
0x79: {  	v0 =	vld [tilespmem:s31+$0x1020];
	_ =	sdelay $0x4  }
0x7a: {  	[tilespmem:s30+$0x1020] =	vst.add.f32.msk $0xffff, v0  }
0x7b: {  	v0 =	vld [tilespmem:s31+$0x1030];
	_ =	sdelay $0x4  }
0x7c: {  	[tilespmem:s30+$0x1030] =	vst.add.f32.msk $0xffff, v0  }
0x7d: {  	v0 =	vld [tilespmem:s31+$0x1040];
	_ =	sdelay $0x4  }
0x7e: {  	[tilespmem:s30+$0x1040] =	vst.add.f32.msk $0xffff, v0  }
0x7f: {  	v0 =	vld [tilespmem:s31+$0x1050];
	_ =	sdelay $0x4  }
0x80: {  	[tilespmem:s30+$0x1050] =	vst.add.f32.msk $0xffff, v0  }
0x81: {  	v0 =	vld [tilespmem:s31+$0x1060];
	_ =	sdelay $0x4  }
0x82: {  	[tilespmem:s30+$0x1060] =	vst.add.f32.msk $0xffff, v0  }
0x83: {  	v0 =	vld [tilespmem:s31+$0x1070];
	_ =	sdelay $0x4  }
0x84: {  	[tilespmem:s30+$0x1070] =	vst.add.f32.msk $0xffff, v0  }
0x85: {  	v0 =	vld [tilespmem:s31+$0x1400];
	_ =	sdelay $0x4  }
0x86: {  	[tilespmem:s30+$0x1400] =	vst.add.f32.msk $0xffff, v0  }
0x87: {  	v0 =	vld [tilespmem:s31+$0x1410];
	_ =	sdelay $0x4  }
0x88: {  	[tilespmem:s30+$0x1410] =	vst.add.f32.msk $0xffff, v0  }
0x89: {  	v0 =	vld [tilespmem:s31+$0x1420];
	_ =	sdelay $0x4  }
0x8a: {  	[tilespmem:s30+$0x1420] =	vst.add.f32.msk $0xffff, v0  }
0x8b: {  	v0 =	vld [tilespmem:s31+$0x1430];
	_ =	sdelay $0x4  }
0x8c: {  	[tilespmem:s30+$0x1430] =	vst.add.f32.msk $0xffff, v0  }
0x8d: {  	v0 =	vld [tilespmem:s31+$0x1440];
	_ =	sdelay $0x4  }
0x8e: {  	[tilespmem:s30+$0x1440] =	vst.add.f32.msk $0xffff, v0  }
0x8f: {  	v0 =	vld [tilespmem:s31+$0x1450];
	_ =	sdelay $0x4  }
0x90: {  	[tilespmem:s30+$0x1450] =	vst.add.f32.msk $0xffff, v0  }
0x91: {  	v0 =	vld [tilespmem:s31+$0x1460];
	_ =	sdelay $0x4  }
0x92: {  	s29 =	sshll.u32 s24, $0xD;
	s26 =	sshll.u32 s2, $0x5;
	[tilespmem:s30+$0x1460] =	vst.add.f32.msk $0xffff, v0  }
0x93: {  	s2 =	sadd.s32 s26, s29;
	v0 =	vld [tilespmem:s31+$0x1470]  }
0x94: {  	s29 =	sadd.s32 s5, s2;
	s2 =	simm.s32 $0x0;
	s31 =	simm.s32 $0x2  }
.LBB2_3:
0x95: {  	p0 =	sne.s32 s31, $0x1F;
	s0 =	smul.u32 $0x1800, s2  }
0x96: {  	s28 =	sadd.s32 $0x80, s28  }
0x97: {  	s14 =	sand.u32 $0x380, s28;
	s2 =	sadd.s32 s0, s23  }
0x98: {  	s2 =	sadd.s32 s14, s2;
	[tilespmem:s30+$0x1470] =	vst.add.f32.msk $0xffff, v0  }
0x99: {  	v0 =	vld [tilespmem:s2+$0x0];
	_ =	sdelay $0x2  }
0x9a: {  	s0 =	sadd.s32 s0, s25  }
0x9b: {  	s30 =	sadd.s32 s14, s0  }
0x9c: {  	[tilespmem:s30+$0x0] =	vst.add.f32.msk $0xffff, v0  }
0x9d: {  	v0 =	vld [tilespmem:s2+$0x10];
	_ =	sdelay $0x4  }
0x9e: {  	[tilespmem:s30+$0x10] =	vst.add.f32.msk $0xffff, v0  }
0x9f: {  	v0 =	vld [tilespmem:s2+$0x20];
	_ =	sdelay $0x4  }
0xa0: {  	[tilespmem:s30+$0x20] =	vst.add.f32.msk $0xffff, v0  }
0xa1: {  	v0 =	vld [tilespmem:s2+$0x30];
	_ =	sdelay $0x4  }
0xa2: {  	[tilespmem:s30+$0x30] =	vst.add.f32.msk $0xffff, v0  }
0xa3: {  	v0 =	vld [tilespmem:s2+$0x40];
	_ =	sdelay $0x4  }
0xa4: {  	[tilespmem:s30+$0x40] =	vst.add.f32.msk $0xffff, v0  }
0xa5: {  	v0 =	vld [tilespmem:s2+$0x50];
	_ =	sdelay $0x4  }
0xa6: {  	[tilespmem:s30+$0x50] =	vst.add.f32.msk $0xffff, v0  }
0xa7: {  	v0 =	vld [tilespmem:s2+$0x60];
	_ =	sdelay $0x4  }
0xa8: {  	[tilespmem:s30+$0x60] =	vst.add.f32.msk $0xffff, v0  }
0xa9: {  	v0 =	vld [tilespmem:s2+$0x70];
	_ =	sdelay $0x4  }
0xaa: {  	[tilespmem:s30+$0x70] =	vst.add.f32.msk $0xffff, v0  }
0xab: {  	v0 =	vld [tilespmem:s2+$0x400];
	_ =	sdelay $0x4  }
0xac: {  	[tilespmem:s30+$0x400] =	vst.add.f32.msk $0xffff, v0  }
0xad: {  	v0 =	vld [tilespmem:s2+$0x410];
	_ =	sdelay $0x4  }
0xae: {  	[tilespmem:s30+$0x410] =	vst.add.f32.msk $0xffff, v0  }
0xaf: {  	v0 =	vld [tilespmem:s2+$0x420];
	_ =	sdelay $0x4  }
0xb0: {  	[tilespmem:s30+$0x420] =	vst.add.f32.msk $0xffff, v0  }
0xb1: {  	v0 =	vld [tilespmem:s2+$0x430];
	_ =	sdelay $0x4  }
0xb2: {  	[tilespmem:s30+$0x430] =	vst.add.f32.msk $0xffff, v0  }
0xb3: {  	v0 =	vld [tilespmem:s2+$0x440];
	_ =	sdelay $0x4  }
0xb4: {  	[tilespmem:s30+$0x440] =	vst.add.f32.msk $0xffff, v0  }
0xb5: {  	v0 =	vld [tilespmem:s2+$0x450];
	_ =	sdelay $0x4  }
0xb6: {  	[tilespmem:s30+$0x450] =	vst.add.f32.msk $0xffff, v0  }
0xb7: {  	v0 =	vld [tilespmem:s2+$0x460];
	_ =	sdelay $0x4  }
0xb8: {  	[tilespmem:s30+$0x460] =	vst.add.f32.msk $0xffff, v0  }
0xb9: {  	v0 =	vld [tilespmem:s2+$0x470];
	_ =	sdelay $0x4  }
0xba: {  	[tilespmem:s30+$0x470] =	vst.add.f32.msk $0xffff, v0  }
0xbb: {  	v0 =	vld [tilespmem:s2+$0x800];
	_ =	sdelay $0x4  }
0xbc: {  	[tilespmem:s30+$0x800] =	vst.add.f32.msk $0xffff, v0  }
0xbd: {  	v0 =	vld [tilespmem:s2+$0x810];
	_ =	sdelay $0x4  }
0xbe: {  	[tilespmem:s30+$0x810] =	vst.add.f32.msk $0xffff, v0  }
0xbf: {  	v0 =	vld [tilespmem:s2+$0x820];
	_ =	sdelay $0x4  }
0xc0: {  	[tilespmem:s30+$0x820] =	vst.add.f32.msk $0xffff, v0  }
0xc1: {  	v0 =	vld [tilespmem:s2+$0x830];
	_ =	sdelay $0x4  }
0xc2: {  	[tilespmem:s30+$0x830] =	vst.add.f32.msk $0xffff, v0  }
0xc3: {  	v0 =	vld [tilespmem:s2+$0x840];
	_ =	sdelay $0x4  }
0xc4: {  	[tilespmem:s30+$0x840] =	vst.add.f32.msk $0xffff, v0  }
0xc5: {  	v0 =	vld [tilespmem:s2+$0x850];
	_ =	sdelay $0x4  }
0xc6: {  	[tilespmem:s30+$0x850] =	vst.add.f32.msk $0xffff, v0  }
0xc7: {  	v0 =	vld [tilespmem:s2+$0x860];
	_ =	sdelay $0x4  }
0xc8: {  	[tilespmem:s30+$0x860] =	vst.add.f32.msk $0xffff, v0  }
0xc9: {  	v0 =	vld [tilespmem:s2+$0x870];
	_ =	sdelay $0x4  }
0xca: {  	[tilespmem:s30+$0x870] =	vst.add.f32.msk $0xffff, v0  }
0xcb: {  	v0 =	vld [tilespmem:s2+$0xC00];
	_ =	sdelay $0x4  }
0xcc: {  	[tilespmem:s30+$0xC00] =	vst.add.f32.msk $0xffff, v0  }
0xcd: {  	v0 =	vld [tilespmem:s2+$0xC10];
	_ =	sdelay $0x4  }
0xce: {  	[tilespmem:s30+$0xC10] =	vst.add.f32.msk $0xffff, v0  }
0xcf: {  	v0 =	vld [tilespmem:s2+$0xC20];
	_ =	sdelay $0x4  }
0xd0: {  	[tilespmem:s30+$0xC20] =	vst.add.f32.msk $0xffff, v0  }
0xd1: {  	v0 =	vld [tilespmem:s2+$0xC30];
	_ =	sdelay $0x4  }
0xd2: {  	[tilespmem:s30+$0xC30] =	vst.add.f32.msk $0xffff, v0  }
0xd3: {  	v0 =	vld [tilespmem:s2+$0xC40];
	_ =	sdelay $0x4  }
0xd4: {  	[tilespmem:s30+$0xC40] =	vst.add.f32.msk $0xffff, v0  }
0xd5: {  	v0 =	vld [tilespmem:s2+$0xC50];
	_ =	sdelay $0x4  }
0xd6: {  	[tilespmem:s30+$0xC50] =	vst.add.f32.msk $0xffff, v0  }
0xd7: {  	v0 =	vld [tilespmem:s2+$0xC60];
	_ =	sdelay $0x4  }
0xd8: {  	[tilespmem:s30+$0xC60] =	vst.add.f32.msk $0xffff, v0  }
0xd9: {  	v0 =	vld [tilespmem:s2+$0xC70];
	_ =	sdelay $0x4  }
0xda: {  	[tilespmem:s30+$0xC70] =	vst.add.f32.msk $0xffff, v0  }
0xdb: {  	v0 =	vld [tilespmem:s2+$0x1000];
	_ =	sdelay $0x4  }
0xdc: {  	[tilespmem:s30+$0x1000] =	vst.add.f32.msk $0xffff, v0  }
0xdd: {  	v0 =	vld [tilespmem:s2+$0x1010];
	_ =	sdelay $0x4  }
0xde: {  	[tilespmem:s30+$0x1010] =	vst.add.f32.msk $0xffff, v0  }
0xdf: {  	v0 =	vld [tilespmem:s2+$0x1020];
	_ =	sdelay $0x4  }
0xe0: {  	[tilespmem:s30+$0x1020] =	vst.add.f32.msk $0xffff, v0  }
0xe1: {  	v0 =	vld [tilespmem:s2+$0x1030];
	_ =	sdelay $0x4  }
0xe2: {  	[tilespmem:s30+$0x1030] =	vst.add.f32.msk $0xffff, v0  }
0xe3: {  	v0 =	vld [tilespmem:s2+$0x1040];
	_ =	sdelay $0x4  }
0xe4: {  	[tilespmem:s30+$0x1040] =	vst.add.f32.msk $0xffff, v0  }
0xe5: {  	v0 =	vld [tilespmem:s2+$0x1050];
	_ =	sdelay $0x4  }
0xe6: {  	[tilespmem:s30+$0x1050] =	vst.add.f32.msk $0xffff, v0  }
0xe7: {  	v0 =	vld [tilespmem:s2+$0x1060];
	_ =	sdelay $0x4  }
0xe8: {  	[tilespmem:s30+$0x1060] =	vst.add.f32.msk $0xffff, v0  }
0xe9: {  	v0 =	vld [tilespmem:s2+$0x1070];
	_ =	sdelay $0x4  }
0xea: {  	[tilespmem:s30+$0x1070] =	vst.add.f32.msk $0xffff, v0  }
0xeb: {  	v0 =	vld [tilespmem:s2+$0x1400];
	_ =	sdelay $0x4  }
0xec: {  	[tilespmem:s30+$0x1400] =	vst.add.f32.msk $0xffff, v0  }
0xed: {  	v0 =	vld [tilespmem:s2+$0x1410];
	_ =	sdelay $0x4  }
0xee: {  	[tilespmem:s30+$0x1410] =	vst.add.f32.msk $0xffff, v0  }
0xef: {  	v0 =	vld [tilespmem:s2+$0x1420];
	_ =	sdelay $0x4  }
0xf0: {  	[tilespmem:s30+$0x1420] =	vst.add.f32.msk $0xffff, v0  }
0xf1: {  	v0 =	vld [tilespmem:s2+$0x1430];
	_ =	sdelay $0x4  }
0xf2: {  	[tilespmem:s30+$0x1430] =	vst.add.f32.msk $0xffff, v0  }
0xf3: {  	v0 =	vld [tilespmem:s2+$0x1440];
	_ =	sdelay $0x4  }
0xf4: {  	[tilespmem:s30+$0x1440] =	vst.add.f32.msk $0xffff, v0  }
0xf5: {  	v0 =	vld [tilespmem:s2+$0x1450];
	_ =	sdelay $0x4  }
0xf6: {  	[tilespmem:s30+$0x1450] =	vst.add.f32.msk $0xffff, v0  }
0xf7: {  	v0 =	vld [tilespmem:s2+$0x1460];
	_ =	sdelay $0x2  }
.Ltmp0:
0xf8: {  	(pc) =	sbr.rel @p0 .LBB2_3-.Ltmp0, $4  }
0xf9: {  	_ = 	snop  }
0xfa: {  	[tilespmem:s30+$0x1460] =	vst.add.f32.msk $0xffff, v0  }
0xfb: {  	v0 =	vld [tilespmem:s2+$0x1470]  }
0xfc: {  	s2 =	sshrl.u32 s31, $0x3;
	s31 =	sadd.s32 $0x1, s31  }
0xfd: {  	s0 =	smul.u32 $0x1800, s2  }
0xfe: {  	s31 =	sadd.s32 $0x80, s28  }
0xff: {  	s2 =	sand.u32 $0x380, s31;
	s14 =	sadd.s32 s0, s23  }
0x100: {  	s14 =	sadd.s32 s2, s14;
	[tilespmem:s30+$0x1470] =	vst.add.f32.msk $0xffff, v0  }
0x101: {  	v0 =	vld [tilespmem:s14+$0x0];
	_ =	sdelay $0x2  }
0x102: {  	s0 =	sadd.s32 s0, s25  }
0x103: {  	s2 =	sadd.s32 s2, s0  }
0x104: {  	[tilespmem:s2+$0x0] =	vst.add.f32.msk $0xffff, v0  }
0x105: {  	v0 =	vld [tilespmem:s14+$0x10];
	_ =	sdelay $0x4  }
0x106: {  	[tilespmem:s2+$0x10] =	vst.add.f32.msk $0xffff, v0  }
0x107: {  	v0 =	vld [tilespmem:s14+$0x20];
	_ =	sdelay $0x4  }
0x108: {  	[tilespmem:s2+$0x20] =	vst.add.f32.msk $0xffff, v0  }
0x109: {  	v0 =	vld [tilespmem:s14+$0x30];
	_ =	sdelay $0x4  }
0x10a: {  	[tilespmem:s2+$0x30] =	vst.add.f32.msk $0xffff, v0  }
0x10b: {  	v0 =	vld [tilespmem:s14+$0x40];
	_ =	sdelay $0x4  }
0x10c: {  	[tilespmem:s2+$0x40] =	vst.add.f32.msk $0xffff, v0  }
0x10d: {  	v0 =	vld [tilespmem:s14+$0x50];
	_ =	sdelay $0x4  }
0x10e: {  	[tilespmem:s2+$0x50] =	vst.add.f32.msk $0xffff, v0  }
0x10f: {  	v0 =	vld [tilespmem:s14+$0x60];
	_ =	sdelay $0x4  }
0x110: {  	[tilespmem:s2+$0x60] =	vst.add.f32.msk $0xffff, v0  }
0x111: {  	v0 =	vld [tilespmem:s14+$0x70];
	_ =	sdelay $0x4  }
0x112: {  	[tilespmem:s2+$0x70] =	vst.add.f32.msk $0xffff, v0  }
0x113: {  	v0 =	vld [tilespmem:s14+$0x400];
	_ =	sdelay $0x4  }
0x114: {  	[tilespmem:s2+$0x400] =	vst.add.f32.msk $0xffff, v0  }
0x115: {  	v0 =	vld [tilespmem:s14+$0x410];
	_ =	sdelay $0x4  }
0x116: {  	[tilespmem:s2+$0x410] =	vst.add.f32.msk $0xffff, v0  }
0x117: {  	v0 =	vld [tilespmem:s14+$0x420];
	_ =	sdelay $0x4  }
0x118: {  	[tilespmem:s2+$0x420] =	vst.add.f32.msk $0xffff, v0  }
0x119: {  	v0 =	vld [tilespmem:s14+$0x430];
	_ =	sdelay $0x4  }
0x11a: {  	[tilespmem:s2+$0x430] =	vst.add.f32.msk $0xffff, v0  }
0x11b: {  	v0 =	vld [tilespmem:s14+$0x440];
	_ =	sdelay $0x4  }
0x11c: {  	[tilespmem:s2+$0x440] =	vst.add.f32.msk $0xffff, v0  }
0x11d: {  	v0 =	vld [tilespmem:s14+$0x450];
	_ =	sdelay $0x4  }
0x11e: {  	[tilespmem:s2+$0x450] =	vst.add.f32.msk $0xffff, v0  }
0x11f: {  	v0 =	vld [tilespmem:s14+$0x460];
	_ =	sdelay $0x4  }
0x120: {  	[tilespmem:s2+$0x460] =	vst.add.f32.msk $0xffff, v0  }
0x121: {  	v0 =	vld [tilespmem:s14+$0x470];
	_ =	sdelay $0x4  }
0x122: {  	[tilespmem:s2+$0x470] =	vst.add.f32.msk $0xffff, v0  }
0x123: {  	v0 =	vld [tilespmem:s14+$0x800];
	_ =	sdelay $0x4  }
0x124: {  	[tilespmem:s2+$0x800] =	vst.add.f32.msk $0xffff, v0  }
0x125: {  	v0 =	vld [tilespmem:s14+$0x810];
	_ =	sdelay $0x4  }
0x126: {  	[tilespmem:s2+$0x810] =	vst.add.f32.msk $0xffff, v0  }
0x127: {  	v0 =	vld [tilespmem:s14+$0x820];
	_ =	sdelay $0x4  }
0x128: {  	[tilespmem:s2+$0x820] =	vst.add.f32.msk $0xffff, v0  }
0x129: {  	v0 =	vld [tilespmem:s14+$0x830];
	_ =	sdelay $0x4  }
0x12a: {  	[tilespmem:s2+$0x830] =	vst.add.f32.msk $0xffff, v0  }
0x12b: {  	v0 =	vld [tilespmem:s14+$0x840];
	_ =	sdelay $0x4  }
0x12c: {  	[tilespmem:s2+$0x840] =	vst.add.f32.msk $0xffff, v0  }
0x12d: {  	v0 =	vld [tilespmem:s14+$0x850];
	_ =	sdelay $0x4  }
0x12e: {  	[tilespmem:s2+$0x850] =	vst.add.f32.msk $0xffff, v0  }
0x12f: {  	v0 =	vld [tilespmem:s14+$0x860];
	_ =	sdelay $0x4  }
0x130: {  	[tilespmem:s2+$0x860] =	vst.add.f32.msk $0xffff, v0  }
0x131: {  	v0 =	vld [tilespmem:s14+$0x870];
	_ =	sdelay $0x4  }
0x132: {  	[tilespmem:s2+$0x870] =	vst.add.f32.msk $0xffff, v0  }
0x133: {  	v0 =	vld [tilespmem:s14+$0xC00];
	_ =	sdelay $0x4  }
0x134: {  	[tilespmem:s2+$0xC00] =	vst.add.f32.msk $0xffff, v0  }
0x135: {  	v0 =	vld [tilespmem:s14+$0xC10];
	_ =	sdelay $0x4  }
0x136: {  	[tilespmem:s2+$0xC10] =	vst.add.f32.msk $0xffff, v0  }
0x137: {  	v0 =	vld [tilespmem:s14+$0xC20];
	_ =	sdelay $0x4  }
0x138: {  	[tilespmem:s2+$0xC20] =	vst.add.f32.msk $0xffff, v0  }
0x139: {  	v0 =	vld [tilespmem:s14+$0xC30];
	_ =	sdelay $0x4  }
0x13a: {  	[tilespmem:s2+$0xC30] =	vst.add.f32.msk $0xffff, v0  }
0x13b: {  	v0 =	vld [tilespmem:s14+$0xC40];
	_ =	sdelay $0x4  }
0x13c: {  	[tilespmem:s2+$0xC40] =	vst.add.f32.msk $0xffff, v0  }
0x13d: {  	v0 =	vld [tilespmem:s14+$0xC50];
	_ =	sdelay $0x4  }
0x13e: {  	[tilespmem:s2+$0xC50] =	vst.add.f32.msk $0xffff, v0  }
0x13f: {  	v0 =	vld [tilespmem:s14+$0xC60];
	_ =	sdelay $0x4  }
0x140: {  	[tilespmem:s2+$0xC60] =	vst.add.f32.msk $0xffff, v0  }
0x141: {  	v0 =	vld [tilespmem:s14+$0xC70];
	_ =	sdelay $0x4  }
0x142: {  	[tilespmem:s2+$0xC70] =	vst.add.f32.msk $0xffff, v0  }
0x143: {  	v0 =	vld [tilespmem:s14+$0x1000];
	_ =	sdelay $0x4  }
0x144: {  	[tilespmem:s2+$0x1000] =	vst.add.f32.msk $0xffff, v0  }
0x145: {  	v0 =	vld [tilespmem:s14+$0x1010];
	_ =	sdelay $0x4  }
0x146: {  	[tilespmem:s2+$0x1010] =	vst.add.f32.msk $0xffff, v0  }
0x147: {  	v0 =	vld [tilespmem:s14+$0x1020];
	_ =	sdelay $0x4  }
0x148: {  	[tilespmem:s2+$0x1020] =	vst.add.f32.msk $0xffff, v0  }
0x149: {  	v0 =	vld [tilespmem:s14+$0x1030];
	_ =	sdelay $0x4  }
0x14a: {  	[tilespmem:s2+$0x1030] =	vst.add.f32.msk $0xffff, v0  }
0x14b: {  	v0 =	vld [tilespmem:s14+$0x1040];
	_ =	sdelay $0x4  }
0x14c: {  	[tilespmem:s2+$0x1040] =	vst.add.f32.msk $0xffff, v0  }
0x14d: {  	v0 =	vld [tilespmem:s14+$0x1050];
	_ =	sdelay $0x4  }
0x14e: {  	[tilespmem:s2+$0x1050] =	vst.add.f32.msk $0xffff, v0  }
0x14f: {  	v0 =	vld [tilespmem:s14+$0x1060];
	_ =	sdelay $0x4  }
0x150: {  	[tilespmem:s2+$0x1060] =	vst.add.f32.msk $0xffff, v0  }
0x151: {  	v0 =	vld [tilespmem:s14+$0x1070];
	_ =	sdelay $0x4  }
0x152: {  	[tilespmem:s2+$0x1070] =	vst.add.f32.msk $0xffff, v0  }
0x153: {  	v0 =	vld [tilespmem:s14+$0x1400];
	_ =	sdelay $0x4  }
0x154: {  	[tilespmem:s2+$0x1400] =	vst.add.f32.msk $0xffff, v0  }
0x155: {  	v0 =	vld [tilespmem:s14+$0x1410];
	_ =	sdelay $0x4  }
0x156: {  	[tilespmem:s2+$0x1410] =	vst.add.f32.msk $0xffff, v0  }
0x157: {  	v0 =	vld [tilespmem:s14+$0x1420];
	_ =	sdelay $0x4  }
0x158: {  	[tilespmem:s2+$0x1420] =	vst.add.f32.msk $0xffff, v0  }
0x159: {  	v0 =	vld [tilespmem:s14+$0x1430];
	_ =	sdelay $0x4  }
0x15a: {  	[tilespmem:s2+$0x1430] =	vst.add.f32.msk $0xffff, v0  }
0x15b: {  	v0 =	vld [tilespmem:s14+$0x1440];
	_ =	sdelay $0x4  }
0x15c: {  	[tilespmem:s2+$0x1440] =	vst.add.f32.msk $0xffff, v0  }
0x15d: {  	v0 =	vld [tilespmem:s14+$0x1450];
	_ =	sdelay $0x4  }
0x15e: {  	[tilespmem:s2+$0x1450] =	vst.add.f32.msk $0xffff, v0  }
0x15f: {  	v0 =	vld [tilespmem:s14+$0x1460];
	_ =	sdelay $0x4  }
0x160: {  	[tilespmem:s2+$0x1460] =	vst.add.f32.msk $0xffff, v0  }
0x161: {  	p0 =	sgt.u32 s20, $0x17;
	v0 =	vld [tilespmem:s14+$0x1470]  }
0x162: {  	p1 =	sne.s32 @!p0 s24, $0x3  }
0x163: {  	p0 =	por p1, p0;
	s30 =	sshrl.u32 s29, $0x3  }
0x164: {  	s0 =	smul.u32 $0x300, s30;
	s14 =	sadd.s32 @!p0 s26, s12  }
0x165: {  	s20 =	sadd.s32 $0x1, s20;
	s14 =	sshrl.u32 @!p0 s14, $0x3  }
0x166: {  	s31 =	sadd.s32 $0x4, s22;
	s0 =	sadd.s32 s4, s0;
	s14 =	smul.u32 @!p0 $0x300, s14;
	[tilespmem:s2+$0x1470] =	vst.add.f32.msk $0xffff, v0  }
0x167: {  	[hbm4b:s0+s6] =	stream.linear.scatter [tilespmem:s25], [sflag:s31], $0x6000, $0x38;
	[tilespmem:$0x1E000] =	vst v63  }
0x168: {  	s2 =	sadd.s32 @!p0 s3, s14;
	s14 =	simm.s32 @!p0 $0x0;
	s0 =	sadd.s32 @!p0 $0x7, s21  }
0x169: {  	[tilespmem:s23], [sflag:s0] =	stream.linear.gather @!p0 [hbm4b:s2+s14], $0x6000, $0x38;
	[tilespmem:$0x1E000] =	vst v63  }
0x16a: {  	p0 =	sne.s32 s20, $0x20  }
.Ltmp1:
0x16b: {  	_ = 	snop;
	(pc) =	sbr.rel @p0 .LBB2_2-.Ltmp1, $1  }
0x16c: {  	_ =	sdelay $0x3  }
0x16d: {  	s19 =	sadd.s32 $0x1, s19  }
0x16e: {  	p0 =	sne.s32 s19, s13  }
.Ltmp2:
0x16f: {  	_ = 	snop;
	(pc) =	sbr.rel @p0 .LBB2_1-.Ltmp2, $4  }
0x170: {  	_ = 	snop  }
0x171: {  	_ =	swait.ge [sflag:s18], $0x6000  }
0x172: {  	[sflag:s18] =	ssyncset.done $0x0  }
0x173: {  	[sflag:s18] =	ssyncadd.s32 $0xFFFFA000  }
0x174: {  	_ =	sfence.sel $0x180000  }
0x175: {  	[bflag:$0x0] =	sbarrier.arrive $0xFFFF  }
0x176: {  	_ =	strace $0x90000047  }
0x177: {  	s0 =	stileid.u32;
	[bflag:$0x2] =	sbarrier.arrive $0xFFFF  }
0x178: {  	p0 =	sne.s32 s0, $0x0;
	s0 =	rddreg [dreg:$0x3]  }
0x179: {  	s0 =	sadd.s32 @!p0 $0x100000, s0  }
0x17a: {  	[sflag:s0] =	ssyncadd.tile.s32 @!p0 $0x1;
	_ =	shalt  }
.Lfunc_end2:
_tile_overlayer_lowered:
.L_overlay_start_2:
0x17b: {  	(tag) =	ssettag $0x2  }
0x17c: {  	s0 =	rddreg [dreg:$0x0];
	s2 =	stileid.u32  }
0x17d: {  	s1 =	rddreg [dreg:$0x1];
	p0 =	sne.s32 s2, $0x0  }
0x17e: {  	s3 =	rddreg [dreg:$0x2];
	[bflag:$0x3] =	sbarrier.arrive $0xFFFF;
	s2 =	simm.s32 @!p0 $0x1C09  }
0x17f: {  	[timem:s3], [sflag:s2] =	dma.local @!p0 [hbm:s0], s1  }
0x180: {  	s0 =	simm.s32 @!p0 $0x9  }
0x181: {  	_ =	swait.ge @!p0 [sflag:s0], s1  }
0x182: {  	s1 =	ssub.s32 @!p0 $0x0, s1;
	[sflag:s0] =	ssyncset.done @!p0 $0x0  }
0x183: {  	[sflag:s0] =	ssyncadd.s32 @!p0 s1  }
0x184: {  	[bflag:$0x3] =	sbarrier.arrive $0xFFFF  }
0x185: {  	_ =	shalt  }

</sc_bundles>
